<compile_context>
chip_gen: v7x
topology: tpu7x:2x2x1
jax: 0.10.2.dev20260603
libtpu: 0.0.44.dev20260713+nightly
codegen_flags: <defaults>
</compile_context>

<pallas_src>
import functools

import jax
import jax.numpy as jnp
from jax import lax
from jax.experimental import pallas as pl
from jax.experimental.pallas import tpu as pltpu
from jax.experimental.pallas import tpu_sc as plsc

C = 128
NSC = 2
NTILE = 16
NW = NSC * NTILE
BLK = 128
IDX_CH = 16
RB = 1024

def _dot(a, b):
    return jax.lax.dot_general(a, b, (((1,), (0,)), ((), ())),
                               preferred_element_type=jnp.float32)


def _dot_t(a, b):
    return jax.lax.dot_general(a, b, (((0,), (0,)), ((), ())),
                               preferred_element_type=jnp.float32)



def _make_sc_degree(n_pad, blks_per_tile):
    rows_per_tile = n_pad // NTILE
    mesh = plsc.VectorSubcoreMesh(core_axis_name="c", subcore_axis_name="s")

    @functools.partial(
        pl.kernel, mesh=mesh,
        out_type=jax.ShapeDtypeStruct((NSC * n_pad,), jnp.float32),
        scratch_types=[
            pltpu.VMEM_SHARED((n_pad,), jnp.float32),
            pltpu.VMEM((blks_per_tile, BLK), jnp.int32),
            pltpu.VMEM((BLK,), jnp.float32),
            pltpu.VMEM((rows_per_tile,), jnp.float32),
        ],
    )
    def deg_kernel(col_hbm, deg_out, acc_sh, cidx, ones_v, vbuf):
        c = lax.axis_index("c")
        s = lax.axis_index("s")
        wid = c * NTILE + s

        def z16(i, _):
            vbuf[pl.ds(i * 16, 16)] = jnp.zeros((16,), jnp.float32)
            return 0
        lax.fori_loop(0, rows_per_tile // 16, z16, 0)
        for i in range(BLK // 16):
            ones_v[pl.ds(i * 16, 16)] = jnp.ones((16,), jnp.float32)
        pltpu.sync_copy(vbuf, acc_sh.at[pl.ds(s * rows_per_tile, rows_per_tile)])
        pltpu.sync_copy(col_hbm.at[pl.ds(wid * blks_per_tile, blks_per_tile)], cidx)
        plsc.subcore_barrier()

        def body(j, _):
            pltpu.sync_copy(ones_v, acc_sh.at[cidx.at[j]], add=True)
            return 0
        lax.fori_loop(0, blks_per_tile, body, 0)
        plsc.subcore_barrier()

        lo = s * rows_per_tile
        pltpu.sync_copy(acc_sh.at[pl.ds(lo, rows_per_tile)], vbuf)
        pltpu.sync_copy(vbuf, deg_out.at[pl.ds(c * n_pad + lo, rows_per_tile)])

    return deg_kernel


def _make_sc_gcn(n_pad, blks_per_tile):
    rows_per_tile = n_pad // NTILE
    mesh = plsc.VectorSubcoreMesh(core_axis_name="c", subcore_axis_name="s")

    @functools.partial(
        pl.kernel, mesh=mesh,
        out_type=jax.ShapeDtypeStruct((NSC * n_pad, C), jnp.float32),
        scratch_types=[
            pltpu.VMEM_SHARED((n_pad, C), jnp.float32),
            pltpu.VMEM((IDX_CH, BLK), jnp.int32),
            pltpu.VMEM((IDX_CH, BLK), jnp.int32),
            pltpu.VMEM((BLK, C), jnp.float32),
            pltpu.VMEM((BLK, C), jnp.float32),
            pltpu.SemaphoreType.DMA,
            pltpu.SemaphoreType.DMA,
        ],
    )
    def gcn_kernel(vsb_hbm, row_hbm, col_hbm, out_hbm,
                   acc_sh, ridx, cidx, rows0, rows1, sem0, sem1):
        c = lax.axis_index("c")
        s = lax.axis_index("s")
        wid = c * NTILE + s

        def zrow(r, _):
            for k in range(C // 16):
                rows0[r, pl.ds(k * 16, 16)] = jnp.zeros((16,), jnp.float32)
            return 0
        lax.fori_loop(0, BLK, zrow, 0)
        for t in range(rows_per_tile // BLK):
            pltpu.sync_copy(rows0, acc_sh.at[pl.ds(s * rows_per_tile + t * BLK, BLK)])
        plsc.subcore_barrier()

        def chunk(ch, _):
            base = wid * blks_per_tile + ch * IDX_CH
            pltpu.sync_copy(row_hbm.at[pl.ds(base, IDX_CH)], ridx)
            pltpu.sync_copy(col_hbm.at[pl.ds(base, IDX_CH)], cidx)
            pltpu.async_copy(vsb_hbm.at[ridx.at[0]], rows0, sem0)

            def pair(w, _):
                j0 = w * 2
                pltpu.make_async_copy(vsb_hbm.at[ridx.at[j0]], rows0, sem0).wait()
                pltpu.async_copy(vsb_hbm.at[ridx.at[j0 + 1]], rows1, sem1)
                pltpu.sync_copy(rows0, acc_sh.at[cidx.at[j0]], add=True)
                pltpu.make_async_copy(vsb_hbm.at[ridx.at[j0 + 1]], rows1, sem1).wait()

                @pl.when(j0 + 2 < IDX_CH)
                def _():
                    pltpu.async_copy(vsb_hbm.at[ridx.at[j0 + 2]], rows0, sem0)
                pltpu.sync_copy(rows1, acc_sh.at[cidx.at[j0 + 1]], add=True)
                return 0
            lax.fori_loop(0, IDX_CH // 2, pair, 0)
            return 0
        lax.fori_loop(0, blks_per_tile // IDX_CH, chunk, 0)
        plsc.subcore_barrier()

        for t in range(rows_per_tile // BLK):
            lo = s * rows_per_tile + t * BLK
            pltpu.sync_copy(acc_sh.at[pl.ds(lo, BLK)], rows0)
            pltpu.sync_copy(rows0, out_hbm.at[pl.ds(c * n_pad + lo, BLK)])

    return gcn_kernel



def _tc1_body(n, grid, q_ref, s_ref, wq_ref, bq_ref, wk_ref, bk_ref,
              wv_ref, bv_ref,
              qs_ref, vs_ref, u_ref, stats_ref, u_acc, st_acc):
    i = pl.program_id(0)
    mask = (lax.broadcasted_iota(jnp.int32, (RB, 1), 0) + i * RB) < n

    q = _dot(q_ref[...], wq_ref[...]) + bq_ref[...]
    k = _dot(s_ref[...], wk_ref[...]) + bk_ref[...]
    v = _dot(s_ref[...], wv_ref[...]) + bv_ref[...]
    qm = jnp.where(mask, q, 0.0)
    km = jnp.where(mask, k, 0.0)
    vm = jnp.where(mask, v, 0.0)

    qs_ref[...] = q
    vs_ref[...] = v

    st = jnp.concatenate([
        jnp.sum(km, axis=0, keepdims=True),
        jnp.sum(vm, axis=0, keepdims=True),
        jnp.full((1, C), jnp.sum(qm * qm), jnp.float32),
        jnp.full((1, C), jnp.sum(km * km), jnp.float32),
        jnp.zeros((4, C), jnp.float32),
    ], axis=0)

    @pl.when(i == 0)
    def _():
        u_acc[...] = jnp.zeros_like(u_acc)
        st_acc[...] = jnp.zeros_like(st_acc)

    u_acc[...] += _dot_t(km, vm)
    st_acc[...] += st

    @pl.when(i == grid - 1)
    def _():
        u_ref[...] = u_acc[...]
        stats_ref[...] = st_acc[...]


def _tc_scale_body(vs_ref, deg_ref, vsb_ref):
    degb = deg_ref[0, :] + deg_ref[1, :]
    dinv = jnp.where(degb > 0, jax.lax.rsqrt(degb), 0.0)[:, None]
    vsb_ref[...] = vs_ref[...] * dinv


def _tc_attn_body(n, q_ref, u_ref, stats_ref, attn_ref):
    qs = q_ref[...]
    sk = stats_ref[0, :]
    vsum = stats_ref[1, :]
    nq2 = stats_ref[2, 0]
    nk2 = stats_ref[3, 0]
    alpha = jax.lax.rsqrt(nq2) * jax.lax.rsqrt(nk2)

    num = _dot(qs, u_ref[...]) * alpha + vsum[None, :]
    den = _dot(qs, sk[:, None]) * alpha + jnp.float32(n)
    attn_ref[...] = num / den


def _tc_comb_body(attn_ref, deg_ref, g0_ref, g1_ref, out_ref):
    degb = deg_ref[0, :] + deg_ref[1, :]
    dinv = jnp.where(degb > 0, jax.lax.rsqrt(degb), 0.0)[:, None]
    out_ref[...] = attn_ref[...] + dinv * (g0_ref[...] + g1_ref[...])



def kernel(query_input, source_input, edge_index,
           Wq_w, Wq_b, Wk_w, Wk_b, Wv_w, Wv_b):
    n = query_input.shape[0]
    e = edge_index.shape[1]

    n_pad = ((n + BLK) + BLK - 1) // BLK * BLK
    epb = NW * BLK * IDX_CH
    e_pad = (e + epb - 1) // epb * epb
    blks_per_tile = e_pad // (NW * BLK)
    pad = e_pad - e
    trash = n_pad - n

    ar = jnp.arange(pad, dtype=jnp.int32)
    row_p = jnp.concatenate([edge_index[0], ar % n])
    col_p = jnp.concatenate([edge_index[1], n + (ar % trash)])
    row2d = row_p.reshape(e_pad // BLK, BLK)
    col2d = col_p.reshape(e_pad // BLK, BLK)

    row_blk = pl.BlockSpec((RB, C), lambda i: (i, 0))
    full_cc = pl.BlockSpec((C, C), lambda i: (0, 0))
    full_1c = pl.BlockSpec((1, C), lambda i: (0, 0))
    full_st = pl.BlockSpec((8, C), lambda i: (0, 0))
    deg_blk = pl.BlockSpec((NSC, RB), lambda i: (0, i))
    grid1 = (n + RB - 1) // RB

    deg2 = _make_sc_degree(n_pad, blks_per_tile)(col2d).reshape(NSC, n_pad)

    qs, vs, u_mat, stats = pl.pallas_call(
        functools.partial(_tc1_body, n, grid1),
        grid=(grid1,),
        in_specs=[row_blk, row_blk, full_cc, full_1c, full_cc, full_1c,
                  full_cc, full_1c],
        out_specs=[row_blk, row_blk, full_cc, full_st],
        out_shape=[
            jax.ShapeDtypeStruct((n, C), jnp.float32),
            jax.ShapeDtypeStruct((n, C), jnp.float32),
            jax.ShapeDtypeStruct((C, C), jnp.float32),
            jax.ShapeDtypeStruct((8, C), jnp.float32),
        ],
        scratch_shapes=[
            pltpu.VMEM((C, C), jnp.float32),
            pltpu.VMEM((8, C), jnp.float32),
        ],
        compiler_params=pltpu.CompilerParams(
            dimension_semantics=("arbitrary",)),
    )(query_input, source_input, Wq_w, Wq_b.reshape(1, C), Wk_w,
      Wk_b.reshape(1, C), Wv_w, Wv_b.reshape(1, C))

    vsb = pl.pallas_call(
        _tc_scale_body,
        grid=(grid1,),
        in_specs=[row_blk, deg_blk],
        out_specs=row_blk,
        out_shape=jax.ShapeDtypeStruct((n, C), jnp.float32),
    )(vs, deg2)

    g = _make_sc_gcn(n_pad, blks_per_tile)(vsb, row2d, col2d)

    attn = pl.pallas_call(
        functools.partial(_tc_attn_body, n),
        grid=(grid1,),
        in_specs=[row_blk, full_cc, full_st],
        out_specs=row_blk,
        out_shape=jax.ShapeDtypeStruct((n, C), jnp.float32),
    )(qs, u_mat, stats)

    npb = n_pad // RB
    out = pl.pallas_call(
        _tc_comb_body,
        grid=(grid1,),
        in_specs=[row_blk, deg_blk, row_blk,
                  pl.BlockSpec((RB, C), lambda i: (i + npb, 0))],
        out_specs=row_blk,
        out_shape=jax.ShapeDtypeStruct((n, C), jnp.float32),
    )(attn, deg2, g, g)

    return out

# --- scband reference (transcript-rebuilt; emitter-appended) ---
"""Pipeline reference for scband-fusion-model-graph-34608846471590 (READ-ONLY COPY).

The authoritative reference and input builder live on the scoring server;
editing this copy changes nothing except your own understanding.
"""

import jax, jax.numpy as jnp
import numpy as np

N, E, CIN, COUT, HEADS = 10000, 320000, 128, 128, 1

def setup_inputs(seed: int = 0) -> dict:
    key = jax.random.key(seed)
    ks = jax.random.split(key, 9)
    query_input = jax.random.normal(ks[0], (N, CIN), dtype=jnp.float32)
    source_input = jax.random.normal(ks[1], (N, CIN), dtype=jnp.float32)
    edge_index = jax.random.randint(ks[2], (2, E), 0, N, dtype=jnp.int32)
    s = 1.0 / np.sqrt(CIN)
    Wq_w = jax.random.uniform(ks[3], (CIN, COUT * HEADS), minval=-s, maxval=s, dtype=jnp.float32)
    Wq_b = jax.random.uniform(ks[4], (COUT * HEADS,), minval=-s, maxval=s, dtype=jnp.float32)
    Wk_w = jax.random.uniform(ks[5], (CIN, COUT * HEADS), minval=-s, maxval=s, dtype=jnp.float32)
    Wk_b = jax.random.uniform(ks[6], (COUT * HEADS,), minval=-s, maxval=s, dtype=jnp.float32)
    Wv_w = jax.random.uniform(ks[7], (CIN, COUT * HEADS), minval=-s, maxval=s, dtype=jnp.float32)
    Wv_b = jax.random.uniform(ks[8], (COUT * HEADS,), minval=-s, maxval=s, dtype=jnp.float32)
    return {"query_input": query_input, "source_input": source_input, "edge_index": edge_index,
            "Wq_w": Wq_w, "Wq_b": Wq_b, "Wk_w": Wk_w, "Wk_b": Wk_b, "Wv_w": Wv_w, "Wv_b": Wv_b}

def _full_attention_conv_simple(qs, ks_, vs):
    n = qs.shape[0]
    qs = qs / jnp.linalg.norm(qs.reshape(-1))
    ks_ = ks_ / jnp.linalg.norm(ks_.reshape(-1))
    kvs = jnp.einsum('lhm,lhd->hmd', ks_, vs)
    attention_num = jnp.einsum('nhm,hmd->nhd', qs, kvs)
    vs_sum = jnp.einsum('l,lhd->hd', jnp.ones((vs.shape[0],), jnp.float32), vs)
    attention_num = attention_num + vs_sum[None, :, :]
    ks_sum = jnp.einsum('lhm,l->hm', ks_, jnp.ones((ks_.shape[0],), jnp.float32))
    attention_normalizer = jnp.einsum('nhm,hm->nh', qs, ks_sum)[..., None]
    attention_normalizer = attention_normalizer + jnp.ones_like(attention_normalizer) * n
    return attention_num / attention_normalizer

def _gcn_conv(x, edge_index):
    # x: [N, H, D]
    n = x.shape[0]
    row, col = edge_index[0], edge_index[1]
    d = jax.ops.segment_sum(jnp.ones(row.shape[0], jnp.float32), col, num_segments=n)
    d_norm_in = jnp.sqrt(1.0 / d[col])
    d_norm_out = jnp.sqrt(1.0 / d[row])
    value = jnp.ones(row.shape[0], jnp.float32) * d_norm_in * d_norm_out
    value = jnp.nan_to_num(value, nan=0.0, posinf=0.0, neginf=0.0)
    msgs = value[:, None, None] * x[row]  # gather over edges [E, H, D]
    return jax.ops.segment_sum(msgs, col, num_segments=n)  # scatter-add to dst

def reference(query_input, source_input, edge_index, Wq_w, Wq_b, Wk_w, Wk_b, Wv_w, Wv_b):
    n = query_input.shape[0]
    qs = (query_input @ Wq_w + Wq_b).reshape(n, HEADS, COUT)
    ks_ = (source_input @ Wk_w + Wk_b).reshape(n, HEADS, COUT)
    vs = (source_input @ Wv_w + Wv_b).reshape(n, HEADS, COUT)
    attn_output = _full_attention_conv_simple(qs, ks_, vs)
    final_output = attn_output + _gcn_conv(vs, edge_index)
    return final_output.mean(axis=1)

if __name__ == "__main__":
    import jax
    _d = setup_inputs()
    print(jax.jit(kernel)(*tuple(_d.values())))

</pallas_src>

<mosaic_0001>
#map = affine_map<(d0, d1) -> (0, 0)>
module attributes {stable_mosaic.version = 14 : i64} {
  func.func @gcn_kernel(%arg0: i32, %arg1: i32, %arg2: memref<10000x128xf32, #tpu.memory_space<hbm>>, %arg3: memref<2560x128xi32, #tpu.memory_space<hbm>>, %arg4: memref<2560x128xi32, #tpu.memory_space<hbm>>, %arg5: memref<20480x128xf32, #tpu.memory_space<hbm>>, %arg6: memref<10240x128xf32, #tpu.memory_space<vmem_shared>>, %arg7: memref<16x128xi32, #tpu.memory_space<vmem>>, %arg8: memref<16x128xi32, #tpu.memory_space<vmem>>, %arg9: memref<128x128xf32, #tpu.memory_space<vmem>>, %arg10: memref<128x128xf32, #tpu.memory_space<vmem>>, %arg11: memref<!tpu.dma_semaphore, #tpu.memory_space<semaphore_mem>>, %arg12: memref<!tpu.dma_semaphore, #tpu.memory_space<semaphore_mem>>) attributes {dimension_semantics = [#tpu.dimension_semantics<core_parallel>, #tpu.dimension_semantics<subcore_parallel>], iteration_bounds = array<i64: 2, 16>, scalar_prefetch = 0 : i64, scratch_operands = 7 : i64, tpu.core_type = #tpu.core_type<sc_vector_subcore>, window_params = [{transform_indices = #map}, {transform_indices = #map}, {transform_indices = #map}, {transform_indices = #map}]} {
    %mul3A = arith.constant 16 : i32
    %mul3A_0 = arith.muli %arg0, %mul3A : i32
    %add3A = arith.addi %mul3A_0, %arg1 : i32
    %scan3A = arith.constant 0 : i32
    %scan3A_1 = arith.constant 0 : i32
    %scan3A_2 = arith.constant 128 : i32
    %scan3A_3 = arith.addi %scan3A_1, %scan3A_2 : i32
    %scan3A_4 = arith.constant 1 : i32
    %scan3A_5 = scf.for %scan3A_70 = %scan3A_1 to %scan3A_3 step %scan3A_4 iter_args(%scan3A_71 = %scan3A) -> (i32)  : i32 {
      %broadcast_in_dim3A = arith.constant 0.000000e+00 : f32
      %broadcast_in_dim3A_72 = vector.broadcast %broadcast_in_dim3A : f32 to vector<16xf32>
      %swap3A = arith.index_cast %scan3A_70 : i32 to index
      %swap3A_73 = arith.constant 0 : index
      %swap3A_74 = tpu.vector_load %arg9[%swap3A, %swap3A_73] {strides = array<i32>} : memref<128x128xf32, #tpu.memory_space<vmem>>, vector<1x16xf32>,
      %swap3A_75 = vector.shape_cast %swap3A_74 : vector<1x16xf32> to vector<16xf32>
      %swap3A_76 = vector.shape_cast %broadcast_in_dim3A_72 : vector<16xf32> to vector<1x16xf32>
      tpu.vector_store %arg9[%swap3A, %swap3A_73], %swap3A_76 {strides = array<i32>} : memref<128x128xf32, #tpu.memory_space<vmem>>, vector<1x16xf32>,
      %broadcast_in_dim3A_77 = arith.constant 0.000000e+00 : f32
      %broadcast_in_dim3A_78 = vector.broadcast %broadcast_in_dim3A_77 : f32 to vector<16xf32>
      %swap3A_79 = arith.index_cast %scan3A_70 : i32 to index
      %swap3A_80 = arith.constant 16 : index
      %swap3A_81 = tpu.vector_load %arg9[%swap3A_79, %swap3A_80] {strides = array<i32>} : memref<128x128xf32, #tpu.memory_space<vmem>>, vector<1x16xf32>,
      %swap3A_82 = vector.shape_cast %swap3A_81 : vector<1x16xf32> to vector<16xf32>
      %swap3A_83 = vector.shape_cast %broadcast_in_dim3A_78 : vector<16xf32> to vector<1x16xf32>
      tpu.vector_store %arg9[%swap3A_79, %swap3A_80], %swap3A_83 {strides = array<i32>} : memref<128x128xf32, #tpu.memory_space<vmem>>, vector<1x16xf32>,
      %broadcast_in_dim3A_84 = arith.constant 0.000000e+00 : f32
      %broadcast_in_dim3A_85 = vector.broadcast %broadcast_in_dim3A_84 : f32 to vector<16xf32>
      %swap3A_86 = arith.index_cast %scan3A_70 : i32 to index
      %swap3A_87 = arith.constant 32 : index
      %swap3A_88 = tpu.vector_load %arg9[%swap3A_86, %swap3A_87] {strides = array<i32>} : memref<128x128xf32, #tpu.memory_space<vmem>>, vector<1x16xf32>,
      %swap3A_89 = vector.shape_cast %swap3A_88 : vector<1x16xf32> to vector<16xf32>
      %swap3A_90 = vector.shape_cast %broadcast_in_dim3A_85 : vector<16xf32> to vector<1x16xf32>
      tpu.vector_store %arg9[%swap3A_86, %swap3A_87], %swap3A_90 {strides = array<i32>} : memref<128x128xf32, #tpu.memory_space<vmem>>, vector<1x16xf32>,
      %broadcast_in_dim3A_91 = arith.constant 0.000000e+00 : f32
      %broadcast_in_dim3A_92 = vector.broadcast %broadcast_in_dim3A_91 : f32 to vector<16xf32>
      %swap3A_93 = arith.index_cast %scan3A_70 : i32 to index
      %swap3A_94 = arith.constant 48 : index
      %swap3A_95 = tpu.vector_load %arg9[%swap3A_93, %swap3A_94] {strides = array<i32>} : memref<128x128xf32, #tpu.memory_space<vmem>>, vector<1x16xf32>,
      %swap3A_96 = vector.shape_cast %swap3A_95 : vector<1x16xf32> to vector<16xf32>
      %swap3A_97 = vector.shape_cast %broadcast_in_dim3A_92 : vector<16xf32> to vector<1x16xf32>
      tpu.vector_store %arg9[%swap3A_93, %swap3A_94], %swap3A_97 {strides = array<i32>} : memref<128x128xf32, #tpu.memory_space<vmem>>, vector<1x16xf32>,
      %broadcast_in_dim3A_98 = arith.constant 0.000000e+00 : f32
      %broadcast_in_dim3A_99 = vector.broadcast %broadcast_in_dim3A_98 : f32 to vector<16xf32>
      %swap3A_100 = arith.index_cast %scan3A_70 : i32 to index
      %swap3A_101 = arith.constant 64 : index
      %swap3A_102 = tpu.vector_load %arg9[%swap3A_100, %swap3A_101] {strides = array<i32>} : memref<128x128xf32, #tpu.memory_space<vmem>>, vector<1x16xf32>,
      %swap3A_103 = vector.shape_cast %swap3A_102 : vector<1x16xf32> to vector<16xf32>
      %swap3A_104 = vector.shape_cast %broadcast_in_dim3A_99 : vector<16xf32> to vector<1x16xf32>
      tpu.vector_store %arg9[%swap3A_100, %swap3A_101], %swap3A_104 {strides = array<i32>} : memref<128x128xf32, #tpu.memory_space<vmem>>, vector<1x16xf32>,
      %broadcast_in_dim3A_105 = arith.constant 0.000000e+00 : f32
      %broadcast_in_dim3A_106 = vector.broadcast %broadcast_in_dim3A_105 : f32 to vector<16xf32>
      %swap3A_107 = arith.index_cast %scan3A_70 : i32 to index
      %swap3A_108 = arith.constant 80 : index
      %swap3A_109 = tpu.vector_load %arg9[%swap3A_107, %swap3A_108] {strides = array<i32>} : memref<128x128xf32, #tpu.memory_space<vmem>>, vector<1x16xf32>,
      %swap3A_110 = vector.shape_cast %swap3A_109 : vector<1x16xf32> to vector<16xf32>
      %swap3A_111 = vector.shape_cast %broadcast_in_dim3A_106 : vector<16xf32> to vector<1x16xf32>
      tpu.vector_store %arg9[%swap3A_107, %swap3A_108], %swap3A_111 {strides = array<i32>} : memref<128x128xf32, #tpu.memory_space<vmem>>, vector<1x16xf32>,
      %broadcast_in_dim3A_112 = arith.constant 0.000000e+00 : f32
      %broadcast_in_dim3A_113 = vector.broadcast %broadcast_in_dim3A_112 : f32 to vector<16xf32>
      %swap3A_114 = arith.index_cast %scan3A_70 : i32 to index
      %swap3A_115 = arith.constant 96 : index
      %swap3A_116 = tpu.vector_load %arg9[%swap3A_114, %swap3A_115] {strides = array<i32>} : memref<128x128xf32, #tpu.memory_space<vmem>>, vector<1x16xf32>,
      %swap3A_117 = vector.shape_cast %swap3A_116 : vector<1x16xf32> to vector<16xf32>
      %swap3A_118 = vector.shape_cast %broadcast_in_dim3A_113 : vector<16xf32> to vector<1x16xf32>
      tpu.vector_store %arg9[%swap3A_114, %swap3A_115], %swap3A_118 {strides = array<i32>} : memref<128x128xf32, #tpu.memory_space<vmem>>, vector<1x16xf32>,
      %broadcast_in_dim3A_119 = arith.constant 0.000000e+00 : f32
      %broadcast_in_dim3A_120 = vector.broadcast %broadcast_in_dim3A_119 : f32 to vector<16xf32>
      %swap3A_121 = arith.index_cast %scan3A_70 : i32 to index
      %swap3A_122 = arith.constant 112 : index
      %swap3A_123 = tpu.vector_load %arg9[%swap3A_121, %swap3A_122] {strides = array<i32>} : memref<128x128xf32, #tpu.memory_space<vmem>>, vector<1x16xf32>,
      %swap3A_124 = vector.shape_cast %swap3A_123 : vector<1x16xf32> to vector<16xf32>
      %swap3A_125 = vector.shape_cast %broadcast_in_dim3A_120 : vector<16xf32> to vector<1x16xf32>
      tpu.vector_store %arg9[%swap3A_121, %swap3A_122], %swap3A_125 {strides = array<i32>} : memref<128x128xf32, #tpu.memory_space<vmem>>, vector<1x16xf32>,
      %scan3A_126 = arith.constant 0 : i32
      scf.yield %scan3A_126 : i32
    }
    %scan3A_6 = arith.constant 128 : i32
    %mul3A_7 = arith.constant 640 : i32
    %mul3A_8 = arith.muli %arg1, %mul3A_7 : i32
    %add3A_9 = arith.constant 0 : i32
    %add3A_10 = arith.addi %mul3A_8, %add3A_9 : i32
    "tpu.region"() ({
      %run_scoped3A = tpu.sem_alloc : memref<!tpu.dma_semaphore, #tpu.memory_space<semaphore_mem>>
      %dma_start3A = arith.constant 0 : i32
      %dma_start3A_70 = tpu.memref_slice %arg6[%add3A_10, %dma_start3A] : memref<10240x128xf32, #tpu.memory_space<vmem_shared>> -> memref<128x128xf32, #tpu.memory_space<vmem_shared>>
      %dma_start3A_71 = arith.constant 0 : i32
      %dma_start3A_72 = tpu.memref_slice %arg6[%add3A_10, %dma_start3A_71] : memref<10240x128xf32, #tpu.memory_space<vmem_shared>> -> memref<128x128xf32, #tpu.memory_space<vmem_shared>>
      tpu.enqueue_dma source(%arg9 : memref<128x128xf32, #tpu.memory_space<vmem>>) target(%dma_start3A_72 : memref<128x128xf32, #tpu.memory_space<vmem_shared>>) target_semaphore(%run_scoped3A : memref<!tpu.dma_semaphore, #tpu.memory_space<semaphore_mem>>)
      %dma_wait3A = arith.constant 0 : i32
      %dma_wait3A_73 = tpu.memref_slice %arg6[%add3A_10, %dma_wait3A] : memref<10240x128xf32, #tpu.memory_space<vmem_shared>> -> memref<128x128xf32, #tpu.memory_space<vmem_shared>>
      %dma_wait3A_74 = arith.constant 0 : i32
      %dma_wait3A_75 = tpu.memref_slice %arg6[%add3A_10, %dma_wait3A_74] : memref<10240x128xf32, #tpu.memory_space<vmem_shared>> -> memref<128x128xf32, #tpu.memory_space<vmem_shared>>
      tpu.wait_dma2 semaphore(%run_scoped3A : memref<!tpu.dma_semaphore, #tpu.memory_space<semaphore_mem>>) src(%arg9 : memref<128x128xf32, #tpu.memory_space<vmem>>) dst(%dma_wait3A_75 : memref<128x128xf32, #tpu.memory_space<vmem_shared>>)
      tpu.yield
    }) : () -> ()
    %mul3A_11 = arith.constant 640 : i32
    %mul3A_12 = arith.muli %arg1, %mul3A_11 : i32
    %add3A_13 = arith.constant 128 : i32
    %add3A_14 = arith.addi %mul3A_12, %add3A_13 : i32
    "tpu.region"() ({
      %run_scoped3A = tpu.sem_alloc : memref<!tpu.dma_semaphore, #tpu.memory_space<semaphore_mem>>
      %dma_start3A = arith.constant 0 : i32
      %dma_start3A_70 = tpu.memref_slice %arg6[%add3A_14, %dma_start3A] : memref<10240x128xf32, #tpu.memory_space<vmem_shared>> -> memref<128x128xf32, #tpu.memory_space<vmem_shared>>
      %dma_start3A_71 = arith.constant 0 : i32
      %dma_start3A_72 = tpu.memref_slice %arg6[%add3A_14, %dma_start3A_71] : memref<10240x128xf32, #tpu.memory_space<vmem_shared>> -> memref<128x128xf32, #tpu.memory_space<vmem_shared>>
      tpu.enqueue_dma source(%arg9 : memref<128x128xf32, #tpu.memory_space<vmem>>) target(%dma_start3A_72 : memref<128x128xf32, #tpu.memory_space<vmem_shared>>) target_semaphore(%run_scoped3A : memref<!tpu.dma_semaphore, #tpu.memory_space<semaphore_mem>>)
      %dma_wait3A = arith.constant 0 : i32
      %dma_wait3A_73 = tpu.memref_slice %arg6[%add3A_14, %dma_wait3A] : memref<10240x128xf32, #tpu.memory_space<vmem_shared>> -> memref<128x128xf32, #tpu.memory_space<vmem_shared>>
      %dma_wait3A_74 = arith.constant 0 : i32
      %dma_wait3A_75 = tpu.memref_slice %arg6[%add3A_14, %dma_wait3A_74] : memref<10240x128xf32, #tpu.memory_space<vmem_shared>> -> memref<128x128xf32, #tpu.memory_space<vmem_shared>>
      tpu.wait_dma2 semaphore(%run_scoped3A : memref<!tpu.dma_semaphore, #tpu.memory_space<semaphore_mem>>) src(%arg9 : memref<128x128xf32, #tpu.memory_space<vmem>>) dst(%dma_wait3A_75 : memref<128x128xf32, #tpu.memory_space<vmem_shared>>)
      tpu.yield
    }) : () -> ()
    %mul3A_15 = arith.constant 640 : i32
    %mul3A_16 = arith.muli %arg1, %mul3A_15 : i32
    %add3A_17 = arith.constant 256 : i32
    %add3A_18 = arith.addi %mul3A_16, %add3A_17 : i32
    "tpu.region"() ({
      %run_scoped3A = tpu.sem_alloc : memref<!tpu.dma_semaphore, #tpu.memory_space<semaphore_mem>>
      %dma_start3A = arith.constant 0 : i32
      %dma_start3A_70 = tpu.memref_slice %arg6[%add3A_18, %dma_start3A] : memref<10240x128xf32, #tpu.memory_space<vmem_shared>> -> memref<128x128xf32, #tpu.memory_space<vmem_shared>>
      %dma_start3A_71 = arith.constant 0 : i32
      %dma_start3A_72 = tpu.memref_slice %arg6[%add3A_18, %dma_start3A_71] : memref<10240x128xf32, #tpu.memory_space<vmem_shared>> -> memref<128x128xf32, #tpu.memory_space<vmem_shared>>
      tpu.enqueue_dma source(%arg9 : memref<128x128xf32, #tpu.memory_space<vmem>>) target(%dma_start3A_72 : memref<128x128xf32, #tpu.memory_space<vmem_shared>>) target_semaphore(%run_scoped3A : memref<!tpu.dma_semaphore, #tpu.memory_space<semaphore_mem>>)
      %dma_wait3A = arith.constant 0 : i32
      %dma_wait3A_73 = tpu.memref_slice %arg6[%add3A_18, %dma_wait3A] : memref<10240x128xf32, #tpu.memory_space<vmem_shared>> -> memref<128x128xf32, #tpu.memory_space<vmem_shared>>
      %dma_wait3A_74 = arith.constant 0 : i32
      %dma_wait3A_75 = tpu.memref_slice %arg6[%add3A_18, %dma_wait3A_74] : memref<10240x128xf32, #tpu.memory_space<vmem_shared>> -> memref<128x128xf32, #tpu.memory_space<vmem_shared>>
      tpu.wait_dma2 semaphore(%run_scoped3A : memref<!tpu.dma_semaphore, #tpu.memory_space<semaphore_mem>>) src(%arg9 : memref<128x128xf32, #tpu.memory_space<vmem>>) dst(%dma_wait3A_75 : memref<128x128xf32, #tpu.memory_space<vmem_shared>>)
      tpu.yield
    }) : () -> ()
    %mul3A_19 = arith.constant 640 : i32
    %mul3A_20 = arith.muli %arg1, %mul3A_19 : i32
    %add3A_21 = arith.constant 384 : i32
    %add3A_22 = arith.addi %mul3A_20, %add3A_21 : i32
    "tpu.region"() ({
      %run_scoped3A = tpu.sem_alloc : memref<!tpu.dma_semaphore, #tpu.memory_space<semaphore_mem>>
      %dma_start3A = arith.constant 0 : i32
      %dma_start3A_70 = tpu.memref_slice %arg6[%add3A_22, %dma_start3A] : memref<10240x128xf32, #tpu.memory_space<vmem_shared>> -> memref<128x128xf32, #tpu.memory_space<vmem_shared>>
      %dma_start3A_71 = arith.constant 0 : i32
      %dma_start3A_72 = tpu.memref_slice %arg6[%add3A_22, %dma_start3A_71] : memref<10240x128xf32, #tpu.memory_space<vmem_shared>> -> memref<128x128xf32, #tpu.memory_space<vmem_shared>>
      tpu.enqueue_dma source(%arg9 : memref<128x128xf32, #tpu.memory_space<vmem>>) target(%dma_start3A_72 : memref<128x128xf32, #tpu.memory_space<vmem_shared>>) target_semaphore(%run_scoped3A : memref<!tpu.dma_semaphore, #tpu.memory_space<semaphore_mem>>)
      %dma_wait3A = arith.constant 0 : i32
      %dma_wait3A_73 = tpu.memref_slice %arg6[%add3A_22, %dma_wait3A] : memref<10240x128xf32, #tpu.memory_space<vmem_shared>> -> memref<128x128xf32, #tpu.memory_space<vmem_shared>>
      %dma_wait3A_74 = arith.constant 0 : i32
      %dma_wait3A_75 = tpu.memref_slice %arg6[%add3A_22, %dma_wait3A_74] : memref<10240x128xf32, #tpu.memory_space<vmem_shared>> -> memref<128x128xf32, #tpu.memory_space<vmem_shared>>
      tpu.wait_dma2 semaphore(%run_scoped3A : memref<!tpu.dma_semaphore, #tpu.memory_space<semaphore_mem>>) src(%arg9 : memref<128x128xf32, #tpu.memory_space<vmem>>) dst(%dma_wait3A_75 : memref<128x128xf32, #tpu.memory_space<vmem_shared>>)
      tpu.yield
    }) : () -> ()
    %mul3A_23 = arith.constant 640 : i32
    %mul3A_24 = arith.muli %arg1, %mul3A_23 : i32
    %add3A_25 = arith.constant 512 : i32
    %add3A_26 = arith.addi %mul3A_24, %add3A_25 : i32
    "tpu.region"() ({
      %run_scoped3A = tpu.sem_alloc : memref<!tpu.dma_semaphore, #tpu.memory_space<semaphore_mem>>
      %dma_start3A = arith.constant 0 : i32
      %dma_start3A_70 = tpu.memref_slice %arg6[%add3A_26, %dma_start3A] : memref<10240x128xf32, #tpu.memory_space<vmem_shared>> -> memref<128x128xf32, #tpu.memory_space<vmem_shared>>
      %dma_start3A_71 = arith.constant 0 : i32
      %dma_start3A_72 = tpu.memref_slice %arg6[%add3A_26, %dma_start3A_71] : memref<10240x128xf32, #tpu.memory_space<vmem_shared>> -> memref<128x128xf32, #tpu.memory_space<vmem_shared>>
      tpu.enqueue_dma source(%arg9 : memref<128x128xf32, #tpu.memory_space<vmem>>) target(%dma_start3A_72 : memref<128x128xf32, #tpu.memory_space<vmem_shared>>) target_semaphore(%run_scoped3A : memref<!tpu.dma_semaphore, #tpu.memory_space<semaphore_mem>>)
      %dma_wait3A = arith.constant 0 : i32
      %dma_wait3A_73 = tpu.memref_slice %arg6[%add3A_26, %dma_wait3A] : memref<10240x128xf32, #tpu.memory_space<vmem_shared>> -> memref<128x128xf32, #tpu.memory_space<vmem_shared>>
      %dma_wait3A_74 = arith.constant 0 : i32
      %dma_wait3A_75 = tpu.memref_slice %arg6[%add3A_26, %dma_wait3A_74] : memref<10240x128xf32, #tpu.memory_space<vmem_shared>> -> memref<128x128xf32, #tpu.memory_space<vmem_shared>>
      tpu.wait_dma2 semaphore(%run_scoped3A : memref<!tpu.dma_semaphore, #tpu.memory_space<semaphore_mem>>) src(%arg9 : memref<128x128xf32, #tpu.memory_space<vmem>>) dst(%dma_wait3A_75 : memref<128x128xf32, #tpu.memory_space<vmem_shared>>)
      tpu.yield
    }) : () -> ()
    %barrier3A = arith.constant 0 : index
    tpu.barrier barrier_id(%barrier3A)
    %scan3A_27 = arith.constant 0 : i32
    %scan3A_28 = arith.constant 0 : i32
    %scan3A_29 = arith.constant 5 : i32
    %scan3A_30 = arith.addi %scan3A_28, %scan3A_29 : i32
    %scan3A_31 = arith.constant 1 : i32
    %scan3A_32 = scf.for %scan3A_70 = %scan3A_28 to %scan3A_30 step %scan3A_31 iter_args(%scan3A_71 = %scan3A_27) -> (i32)  : i32 {
      %mul3A_72 = arith.constant 80 : i32
      %mul3A_73 = arith.muli %add3A, %mul3A_72 : i32
      %mul3A_74 = arith.constant 16 : i32
      %mul3A_75 = arith.muli %scan3A_70, %mul3A_74 : i32
      %add3A_76 = arith.addi %mul3A_73, %mul3A_75 : i32
      "tpu.region"() ({
        %run_scoped3A = tpu.sem_alloc : memref<!tpu.dma_semaphore, #tpu.memory_space<semaphore_mem>>
        %dma_start3A_91 = arith.constant 0 : i32
        %dma_start3A_92 = tpu.memref_slice %arg3[%add3A_76, %dma_start3A_91] : memref<2560x128xi32, #tpu.memory_space<hbm>> -> memref<16x128xi32, #tpu.memory_space<hbm>>
        %dma_start3A_93 = arith.constant 0 : i32
        %dma_start3A_94 = tpu.memref_slice %arg3[%add3A_76, %dma_start3A_93] : memref<2560x128xi32, #tpu.memory_space<hbm>> -> memref<16x128xi32, #tpu.memory_space<hbm>>
        tpu.enqueue_dma source(%dma_start3A_94 : memref<16x128xi32, #tpu.memory_space<hbm>>) target(%arg7 : memref<16x128xi32, #tpu.memory_space<vmem>>) target_semaphore(%run_scoped3A : memref<!tpu.dma_semaphore, #tpu.memory_space<semaphore_mem>>)
        %dma_wait3A = arith.constant 0 : i32
        %dma_wait3A_95 = tpu.memref_slice %arg3[%add3A_76, %dma_wait3A] : memref<2560x128xi32, #tpu.memory_space<hbm>> -> memref<16x128xi32, #tpu.memory_space<hbm>>
        %dma_wait3A_96 = arith.constant 0 : i32
        %dma_wait3A_97 = tpu.memref_slice %arg3[%add3A_76, %dma_wait3A_96] : memref<2560x128xi32, #tpu.memory_space<hbm>> -> memref<16x128xi32, #tpu.memory_space<hbm>>
        tpu.wait_dma2 semaphore(%run_scoped3A : memref<!tpu.dma_semaphore, #tpu.memory_space<semaphore_mem>>) src(%dma_wait3A_97 : memref<16x128xi32, #tpu.memory_space<hbm>>) dst(%arg7 : memref<16x128xi32, #tpu.memory_space<vmem>>)
        tpu.yield
      }) : () -> ()
      "tpu.region"() ({
        %run_scoped3A = tpu.sem_alloc : memref<!tpu.dma_semaphore, #tpu.memory_space<semaphore_mem>>
        %dma_start3A_91 = arith.constant 0 : i32
        %dma_start3A_92 = tpu.memref_slice %arg4[%add3A_76, %dma_start3A_91] : memref<2560x128xi32, #tpu.memory_space<hbm>> -> memref<16x128xi32, #tpu.memory_space<hbm>>
        %dma_start3A_93 = arith.constant 0 : i32
        %dma_start3A_94 = tpu.memref_slice %arg4[%add3A_76, %dma_start3A_93] : memref<2560x128xi32, #tpu.memory_space<hbm>> -> memref<16x128xi32, #tpu.memory_space<hbm>>
        tpu.enqueue_dma source(%dma_start3A_94 : memref<16x128xi32, #tpu.memory_space<hbm>>) target(%arg8 : memref<16x128xi32, #tpu.memory_space<vmem>>) target_semaphore(%run_scoped3A : memref<!tpu.dma_semaphore, #tpu.memory_space<semaphore_mem>>)
        %dma_wait3A = arith.constant 0 : i32
        %dma_wait3A_95 = tpu.memref_slice %arg4[%add3A_76, %dma_wait3A] : memref<2560x128xi32, #tpu.memory_space<hbm>> -> memref<16x128xi32, #tpu.memory_space<hbm>>
        %dma_wait3A_96 = arith.constant 0 : i32
        %dma_wait3A_97 = tpu.memref_slice %arg4[%add3A_76, %dma_wait3A_96] : memref<2560x128xi32, #tpu.memory_space<hbm>> -> memref<16x128xi32, #tpu.memory_space<hbm>>
        tpu.wait_dma2 semaphore(%run_scoped3A : memref<!tpu.dma_semaphore, #tpu.memory_space<semaphore_mem>>) src(%dma_wait3A_97 : memref<16x128xi32, #tpu.memory_space<hbm>>) dst(%arg8 : memref<16x128xi32, #tpu.memory_space<vmem>>)
        tpu.yield
      }) : () -> ()
      %dma_start3A = arith.constant 0 : i32
      %dma_start3A_77 = arith.constant 0 : i32
      %dma_start3A_78 = tpu.memref_slice %arg7[%dma_start3A, %dma_start3A_77] : memref<16x128xi32, #tpu.memory_space<vmem>> -> memref<1x128xi32, #tpu.memory_space<vmem>>
      %dma_start3A_79 = tpu.memref_squeeze %dma_start3A_78 : memref<1x128xi32, #tpu.memory_space<vmem>> -> memref<128xi32, #tpu.memory_space<vmem>>
      %dma_start3A_80 = arith.constant 0 : i32
      %dma_start3A_81 = arith.constant 0 : i32
      %dma_start3A_82 = tpu.memref_slice %arg2[%dma_start3A_80, %dma_start3A_81] : memref<10000x128xf32, #tpu.memory_space<hbm>> -> memref<10000x128xf32, #tpu.memory_space<hbm>>
      tpu.enqueue_indirect_dma source(%dma_start3A_82 : memref<10000x128xf32, #tpu.memory_space<hbm>>) target(%arg9 : memref<128x128xf32, #tpu.memory_space<vmem>>) offsets(%dma_start3A_79 : memref<128xi32, #tpu.memory_space<vmem>>) semaphore(%arg11 : memref<!tpu.dma_semaphore, #tpu.memory_space<semaphore_mem>>)
      %scan3A_83 = arith.constant 0 : i32
      %scan3A_84 = arith.constant 0 : i32
      %scan3A_85 = arith.constant 8 : i32
      %scan3A_86 = arith.addi %scan3A_84, %scan3A_85 : i32
      %scan3A_87 = arith.constant 1 : i32
      %scan3A_88 = scf.for %scan3A_91 = %scan3A_84 to %scan3A_86 step %scan3A_87 iter_args(%scan3A_92 = %scan3A_83) -> (i32)  : i32 {
        %mul3A_93 = arith.constant 2 : i32
        %mul3A_94 = arith.muli %scan3A_91, %mul3A_93 : i32
        %dma_wait3A = arith.constant 0 : i32
        %dma_wait3A_95 = tpu.memref_slice %arg7[%mul3A_94, %dma_wait3A] : memref<16x128xi32, #tpu.memory_space<vmem>> -> memref<1x128xi32, #tpu.memory_space<vmem>>
        %dma_wait3A_96 = tpu.memref_squeeze %dma_wait3A_95 : memref<1x128xi32, #tpu.memory_space<vmem>> -> memref<128xi32, #tpu.memory_space<vmem>>
        %dma_wait3A_97 = arith.constant 0 : i32
        %dma_wait3A_98 = arith.constant 0 : i32
        %dma_wait3A_99 = tpu.memref_slice %arg2[%dma_wait3A_97, %dma_wait3A_98] : memref<10000x128xf32, #tpu.memory_space<hbm>> -> memref<10000x128xf32, #tpu.memory_space<hbm>>
        tpu.wait_indirect_dma semaphore(%arg11 : memref<!tpu.dma_semaphore, #tpu.memory_space<semaphore_mem>>) src(%dma_wait3A_99 : memref<10000x128xf32, #tpu.memory_space<hbm>>) dst(%arg9 : memref<128x128xf32, #tpu.memory_space<vmem>>)
        %add3A_100 = arith.constant 1 : i32
        %add3A_101 = arith.addi %mul3A_94, %add3A_100 : i32
        %dma_start3A_102 = arith.constant 0 : i32
        %dma_start3A_103 = tpu.memref_slice %arg7[%add3A_101, %dma_start3A_102] : memref<16x128xi32, #tpu.memory_space<vmem>> -> memref<1x128xi32, #tpu.memory_space<vmem>>
        %dma_start3A_104 = tpu.memref_squeeze %dma_start3A_103 : memref<1x128xi32, #tpu.memory_space<vmem>> -> memref<128xi32, #tpu.memory_space<vmem>>
        %dma_start3A_105 = arith.constant 0 : i32
        %dma_start3A_106 = arith.constant 0 : i32
        %dma_start3A_107 = tpu.memref_slice %arg2[%dma_start3A_105, %dma_start3A_106] : memref<10000x128xf32, #tpu.memory_space<hbm>> -> memref<10000x128xf32, #tpu.memory_space<hbm>>
        tpu.enqueue_indirect_dma source(%dma_start3A_107 : memref<10000x128xf32, #tpu.memory_space<hbm>>) target(%arg10 : memref<128x128xf32, #tpu.memory_space<vmem>>) offsets(%dma_start3A_104 : memref<128xi32, #tpu.memory_space<vmem>>) semaphore(%arg12 : memref<!tpu.dma_semaphore, #tpu.memory_space<semaphore_mem>>)
        "tpu.region"() ({
          %run_scoped3A = tpu.sem_alloc : memref<!tpu.dma_semaphore, #tpu.memory_space<semaphore_mem>>
          %dma_start3A_123 = arith.constant 0 : i32
          %dma_start3A_124 = tpu.memref_slice %arg8[%mul3A_94, %dma_start3A_123] : memref<16x128xi32, #tpu.memory_space<vmem>> -> memref<1x128xi32, #tpu.memory_space<vmem>>
          %dma_start3A_125 = tpu.memref_squeeze %dma_start3A_124 : memref<1x128xi32, #tpu.memory_space<vmem>> -> memref<128xi32, #tpu.memory_space<vmem>>
          %dma_start3A_126 = arith.constant 0 : i32
          %dma_start3A_127 = arith.constant 0 : i32
          %dma_start3A_128 = tpu.memref_slice %arg6[%dma_start3A_126, %dma_start3A_127] : memref<10240x128xf32, #tpu.memory_space<vmem_shared>> -> memref<10240x128xf32, #tpu.memory_space<vmem_shared>>
          tpu.enqueue_indirect_dma source(%arg9 : memref<128x128xf32, #tpu.memory_space<vmem>>) target(%dma_start3A_128 : memref<10240x128xf32, #tpu.memory_space<vmem_shared>>) offsets(%dma_start3A_125 : memref<128xi32, #tpu.memory_space<vmem>>) semaphore(%run_scoped3A : memref<!tpu.dma_semaphore, #tpu.memory_space<semaphore_mem>>) {add = true}
          %dma_wait3A_129 = arith.constant 0 : i32
          %dma_wait3A_130 = tpu.memref_slice %arg8[%mul3A_94, %dma_wait3A_129] : memref<16x128xi32, #tpu.memory_space<vmem>> -> memref<1x128xi32, #tpu.memory_space<vmem>>
          %dma_wait3A_131 = tpu.memref_squeeze %dma_wait3A_130 : memref<1x128xi32, #tpu.memory_space<vmem>> -> memref<128xi32, #tpu.memory_space<vmem>>
          %dma_wait3A_132 = arith.constant 0 : i32
          %dma_wait3A_133 = arith.constant 0 : i32
          %dma_wait3A_134 = tpu.memref_slice %arg6[%dma_wait3A_132, %dma_wait3A_133] : memref<10240x128xf32, #tpu.memory_space<vmem_shared>> -> memref<10240x128xf32, #tpu.memory_space<vmem_shared>>
          tpu.wait_indirect_dma semaphore(%run_scoped3A : memref<!tpu.dma_semaphore, #tpu.memory_space<semaphore_mem>>) src(%arg9 : memref<128x128xf32, #tpu.memory_space<vmem>>) dst(%dma_wait3A_134 : memref<10240x128xf32, #tpu.memory_space<vmem_shared>>)
          tpu.yield
        }) : () -> ()
        %add3A_108 = arith.constant 1 : i32
        %add3A_109 = arith.addi %mul3A_94, %add3A_108 : i32
        %dma_wait3A_110 = arith.constant 0 : i32
        %dma_wait3A_111 = tpu.memref_slice %arg7[%add3A_109, %dma_wait3A_110] : memref<16x128xi32, #tpu.memory_space<vmem>> -> memref<1x128xi32, #tpu.memory_space<vmem>>
        %dma_wait3A_112 = tpu.memref_squeeze %dma_wait3A_111 : memref<1x128xi32, #tpu.memory_space<vmem>> -> memref<128xi32, #tpu.memory_space<vmem>>
        %dma_wait3A_113 = arith.constant 0 : i32
        %dma_wait3A_114 = arith.constant 0 : i32
        %dma_wait3A_115 = tpu.memref_slice %arg2[%dma_wait3A_113, %dma_wait3A_114] : memref<10000x128xf32, #tpu.memory_space<hbm>> -> memref<10000x128xf32, #tpu.memory_space<hbm>>
        tpu.wait_indirect_dma semaphore(%arg12 : memref<!tpu.dma_semaphore, #tpu.memory_space<semaphore_mem>>) src(%dma_wait3A_115 : memref<10000x128xf32, #tpu.memory_space<hbm>>) dst(%arg10 : memref<128x128xf32, #tpu.memory_space<vmem>>)
        %add3A_116 = arith.constant 2 : i32
        %add3A_117 = arith.addi %mul3A_94, %add3A_116 : i32
        %lt3A = arith.constant 16 : i32
        %lt3A_118 = arith.cmpi slt, %add3A_117, %lt3A : i32
        %convert_element_type3A = arith.extui %lt3A_118 : i1 to i32
        %cond3A = arith.constant 0 : i32
        %cond3A_119 = arith.cmpi ne, %convert_element_type3A, %cond3A : i32
        scf.if %cond3A_119 {
          %add3A_123 = arith.constant 2 : i32
          %add3A_124 = arith.addi %mul3A_94, %add3A_123 : i32
          %dma_start3A_125 = arith.constant 0 : i32
          %dma_start3A_126 = tpu.memref_slice %arg7[%add3A_124, %dma_start3A_125] : memref<16x128xi32, #tpu.memory_space<vmem>> -> memref<1x128xi32, #tpu.memory_space<vmem>>
          %dma_start3A_127 = tpu.memref_squeeze %dma_start3A_126 : memref<1x128xi32, #tpu.memory_space<vmem>> -> memref<128xi32, #tpu.memory_space<vmem>>
          %dma_start3A_128 = arith.constant 0 : i32
          %dma_start3A_129 = arith.constant 0 : i32
          %dma_start3A_130 = tpu.memref_slice %arg2[%dma_start3A_128, %dma_start3A_129] : memref<10000x128xf32, #tpu.memory_space<hbm>> -> memref<10000x128xf32, #tpu.memory_space<hbm>>
          tpu.enqueue_indirect_dma source(%dma_start3A_130 : memref<10000x128xf32, #tpu.memory_space<hbm>>) target(%arg9 : memref<128x128xf32, #tpu.memory_space<vmem>>) offsets(%dma_start3A_127 : memref<128xi32, #tpu.memory_space<vmem>>) semaphore(%arg11 : memref<!tpu.dma_semaphore, #tpu.memory_space<semaphore_mem>>)
        } else {
        }
        %add3A_120 = arith.constant 1 : i32
        %add3A_121 = arith.addi %mul3A_94, %add3A_120 : i32
        "tpu.region"() ({
          %run_scoped3A = tpu.sem_alloc : memref<!tpu.dma_semaphore, #tpu.memory_space<semaphore_mem>>
          %dma_start3A_123 = arith.constant 0 : i32
          %dma_start3A_124 = tpu.memref_slice %arg8[%add3A_121, %dma_start3A_123] : memref<16x128xi32, #tpu.memory_space<vmem>> -> memref<1x128xi32, #tpu.memory_space<vmem>>
          %dma_start3A_125 = tpu.memref_squeeze %dma_start3A_124 : memref<1x128xi32, #tpu.memory_space<vmem>> -> memref<128xi32, #tpu.memory_space<vmem>>
          %dma_start3A_126 = arith.constant 0 : i32
          %dma_start3A_127 = arith.constant 0 : i32
          %dma_start3A_128 = tpu.memref_slice %arg6[%dma_start3A_126, %dma_start3A_127] : memref<10240x128xf32, #tpu.memory_space<vmem_shared>> -> memref<10240x128xf32, #tpu.memory_space<vmem_shared>>
          tpu.enqueue_indirect_dma source(%arg10 : memref<128x128xf32, #tpu.memory_space<vmem>>) target(%dma_start3A_128 : memref<10240x128xf32, #tpu.memory_space<vmem_shared>>) offsets(%dma_start3A_125 : memref<128xi32, #tpu.memory_space<vmem>>) semaphore(%run_scoped3A : memref<!tpu.dma_semaphore, #tpu.memory_space<semaphore_mem>>) {add = true}
          %dma_wait3A_129 = arith.constant 0 : i32
          %dma_wait3A_130 = tpu.memref_slice %arg8[%add3A_121, %dma_wait3A_129] : memref<16x128xi32, #tpu.memory_space<vmem>> -> memref<1x128xi32, #tpu.memory_space<vmem>>
          %dma_wait3A_131 = tpu.memref_squeeze %dma_wait3A_130 : memref<1x128xi32, #tpu.memory_space<vmem>> -> memref<128xi32, #tpu.memory_space<vmem>>
          %dma_wait3A_132 = arith.constant 0 : i32
          %dma_wait3A_133 = arith.constant 0 : i32
          %dma_wait3A_134 = tpu.memref_slice %arg6[%dma_wait3A_132, %dma_wait3A_133] : memref<10240x128xf32, #tpu.memory_space<vmem_shared>> -> memref<10240x128xf32, #tpu.memory_space<vmem_shared>>
          tpu.wait_indirect_dma semaphore(%run_scoped3A : memref<!tpu.dma_semaphore, #tpu.memory_space<semaphore_mem>>) src(%arg10 : memref<128x128xf32, #tpu.memory_space<vmem>>) dst(%dma_wait3A_134 : memref<10240x128xf32, #tpu.memory_space<vmem_shared>>)
          tpu.yield
        }) : () -> ()
        %scan3A_122 = arith.constant 0 : i32
        scf.yield %scan3A_122 : i32
      }
      %scan3A_89 = arith.constant 8 : i32
      %scan3A_90 = arith.constant 0 : i32
      scf.yield %scan3A_90 : i32
    }
    %scan3A_33 = arith.constant 5 : i32
    %barrier3A_34 = arith.constant 0 : index
    tpu.barrier barrier_id(%barrier3A_34)
    %mul3A_35 = arith.constant 640 : i32
    %mul3A_36 = arith.muli %arg1, %mul3A_35 : i32
    %add3A_37 = arith.constant 0 : i32
    %add3A_38 = arith.addi %mul3A_36, %add3A_37 : i32
    "tpu.region"() ({
      %run_scoped3A = tpu.sem_alloc : memref<!tpu.dma_semaphore, #tpu.memory_space<semaphore_mem>>
      %dma_start3A = arith.constant 0 : i32
      %dma_start3A_70 = tpu.memref_slice %arg6[%add3A_38, %dma_start3A] : memref<10240x128xf32, #tpu.memory_space<vmem_shared>> -> memref<128x128xf32, #tpu.memory_space<vmem_shared>>
      %dma_start3A_71 = arith.constant 0 : i32
      %dma_start3A_72 = tpu.memref_slice %arg6[%add3A_38, %dma_start3A_71] : memref<10240x128xf32, #tpu.memory_space<vmem_shared>> -> memref<128x128xf32, #tpu.memory_space<vmem_shared>>
      tpu.enqueue_dma source(%dma_start3A_72 : memref<128x128xf32, #tpu.memory_space<vmem_shared>>) target(%arg9 : memref<128x128xf32, #tpu.memory_space<vmem>>) target_semaphore(%run_scoped3A : memref<!tpu.dma_semaphore, #tpu.memory_space<semaphore_mem>>)
      %dma_wait3A = arith.constant 0 : i32
      %dma_wait3A_73 = tpu.memref_slice %arg6[%add3A_38, %dma_wait3A] : memref<10240x128xf32, #tpu.memory_space<vmem_shared>> -> memref<128x128xf32, #tpu.memory_space<vmem_shared>>
      %dma_wait3A_74 = arith.constant 0 : i32
      %dma_wait3A_75 = tpu.memref_slice %arg6[%add3A_38, %dma_wait3A_74] : memref<10240x128xf32, #tpu.memory_space<vmem_shared>> -> memref<128x128xf32, #tpu.memory_space<vmem_shared>>
      tpu.wait_dma2 semaphore(%run_scoped3A : memref<!tpu.dma_semaphore, #tpu.memory_space<semaphore_mem>>) src(%dma_wait3A_75 : memref<128x128xf32, #tpu.memory_space<vmem_shared>>) dst(%arg9 : memref<128x128xf32, #tpu.memory_space<vmem>>)
      tpu.yield
    }) : () -> ()
    %mul3A_39 = arith.constant 10240 : i32
    %mul3A_40 = arith.muli %arg0, %mul3A_39 : i32
    %add3A_41 = arith.addi %mul3A_40, %add3A_38 : i32
    "tpu.region"() ({
      %run_scoped3A = tpu.sem_alloc : memref<!tpu.dma_semaphore, #tpu.memory_space<semaphore_mem>>
      %dma_start3A = arith.constant 0 : i32
      %dma_start3A_70 = tpu.memref_slice %arg5[%add3A_41, %dma_start3A] : memref<20480x128xf32, #tpu.memory_space<hbm>> -> memref<128x128xf32, #tpu.memory_space<hbm>>
      %dma_start3A_71 = arith.constant 0 : i32
      %dma_start3A_72 = tpu.memref_slice %arg5[%add3A_41, %dma_start3A_71] : memref<20480x128xf32, #tpu.memory_space<hbm>> -> memref<128x128xf32, #tpu.memory_space<hbm>>
      tpu.enqueue_dma source(%arg9 : memref<128x128xf32, #tpu.memory_space<vmem>>) target(%dma_start3A_72 : memref<128x128xf32, #tpu.memory_space<hbm>>) target_semaphore(%run_scoped3A : memref<!tpu.dma_semaphore, #tpu.memory_space<semaphore_mem>>)
      %dma_wait3A = arith.constant 0 : i32
      %dma_wait3A_73 = tpu.memref_slice %arg5[%add3A_41, %dma_wait3A] : memref<20480x128xf32, #tpu.memory_space<hbm>> -> memref<128x128xf32, #tpu.memory_space<hbm>>
      %dma_wait3A_74 = arith.constant 0 : i32
      %dma_wait3A_75 = tpu.memref_slice %arg5[%add3A_41, %dma_wait3A_74] : memref<20480x128xf32, #tpu.memory_space<hbm>> -> memref<128x128xf32, #tpu.memory_space<hbm>>
      tpu.wait_dma2 semaphore(%run_scoped3A : memref<!tpu.dma_semaphore, #tpu.memory_space<semaphore_mem>>) src(%arg9 : memref<128x128xf32, #tpu.memory_space<vmem>>) dst(%dma_wait3A_75 : memref<128x128xf32, #tpu.memory_space<hbm>>)
      tpu.yield
    }) : () -> ()
    %mul3A_42 = arith.constant 640 : i32
    %mul3A_43 = arith.muli %arg1, %mul3A_42 : i32
    %add3A_44 = arith.constant 128 : i32
    %add3A_45 = arith.addi %mul3A_43, %add3A_44 : i32
    "tpu.region"() ({
      %run_scoped3A = tpu.sem_alloc : memref<!tpu.dma_semaphore, #tpu.memory_space<semaphore_mem>>
      %dma_start3A = arith.constant 0 : i32
      %dma_start3A_70 = tpu.memref_slice %arg6[%add3A_45, %dma_start3A] : memref<10240x128xf32, #tpu.memory_space<vmem_shared>> -> memref<128x128xf32, #tpu.memory_space<vmem_shared>>
      %dma_start3A_71 = arith.constant 0 : i32
      %dma_start3A_72 = tpu.memref_slice %arg6[%add3A_45, %dma_start3A_71] : memref<10240x128xf32, #tpu.memory_space<vmem_shared>> -> memref<128x128xf32, #tpu.memory_space<vmem_shared>>
      tpu.enqueue_dma source(%dma_start3A_72 : memref<128x128xf32, #tpu.memory_space<vmem_shared>>) target(%arg9 : memref<128x128xf32, #tpu.memory_space<vmem>>) target_semaphore(%run_scoped3A : memref<!tpu.dma_semaphore, #tpu.memory_space<semaphore_mem>>)
      %dma_wait3A = arith.constant 0 : i32
      %dma_wait3A_73 = tpu.memref_slice %arg6[%add3A_45, %dma_wait3A] : memref<10240x128xf32, #tpu.memory_space<vmem_shared>> -> memref<128x128xf32, #tpu.memory_space<vmem_shared>>
      %dma_wait3A_74 = arith.constant 0 : i32
      %dma_wait3A_75 = tpu.memref_slice %arg6[%add3A_45, %dma_wait3A_74] : memref<10240x128xf32, #tpu.memory_space<vmem_shared>> -> memref<128x128xf32, #tpu.memory_space<vmem_shared>>
      tpu.wait_dma2 semaphore(%run_scoped3A : memref<!tpu.dma_semaphore, #tpu.memory_space<semaphore_mem>>) src(%dma_wait3A_75 : memref<128x128xf32, #tpu.memory_space<vmem_shared>>) dst(%arg9 : memref<128x128xf32, #tpu.memory_space<vmem>>)
      tpu.yield
    }) : () -> ()
    %mul3A_46 = arith.constant 10240 : i32
    %mul3A_47 = arith.muli %arg0, %mul3A_46 : i32
    %add3A_48 = arith.addi %mul3A_47, %add3A_45 : i32
    "tpu.region"() ({
      %run_scoped3A = tpu.sem_alloc : memref<!tpu.dma_semaphore, #tpu.memory_space<semaphore_mem>>
      %dma_start3A = arith.constant 0 : i32
      %dma_start3A_70 = tpu.memref_slice %arg5[%add3A_48, %dma_start3A] : memref<20480x128xf32, #tpu.memory_space<hbm>> -> memref<128x128xf32, #tpu.memory_space<hbm>>
      %dma_start3A_71 = arith.constant 0 : i32
      %dma_start3A_72 = tpu.memref_slice %arg5[%add3A_48, %dma_start3A_71] : memref<20480x128xf32, #tpu.memory_space<hbm>> -> memref<128x128xf32, #tpu.memory_space<hbm>>
      tpu.enqueue_dma source(%arg9 : memref<128x128xf32, #tpu.memory_space<vmem>>) target(%dma_start3A_72 : memref<128x128xf32, #tpu.memory_space<hbm>>) target_semaphore(%run_scoped3A : memref<!tpu.dma_semaphore, #tpu.memory_space<semaphore_mem>>)
      %dma_wait3A = arith.constant 0 : i32
      %dma_wait3A_73 = tpu.memref_slice %arg5[%add3A_48, %dma_wait3A] : memref<20480x128xf32, #tpu.memory_space<hbm>> -> memref<128x128xf32, #tpu.memory_space<hbm>>
      %dma_wait3A_74 = arith.constant 0 : i32
      %dma_wait3A_75 = tpu.memref_slice %arg5[%add3A_48, %dma_wait3A_74] : memref<20480x128xf32, #tpu.memory_space<hbm>> -> memref<128x128xf32, #tpu.memory_space<hbm>>
      tpu.wait_dma2 semaphore(%run_scoped3A : memref<!tpu.dma_semaphore, #tpu.memory_space<semaphore_mem>>) src(%arg9 : memref<128x128xf32, #tpu.memory_space<vmem>>) dst(%dma_wait3A_75 : memref<128x128xf32, #tpu.memory_space<hbm>>)
      tpu.yield
    }) : () -> ()
    %mul3A_49 = arith.constant 640 : i32
    %mul3A_50 = arith.muli %arg1, %mul3A_49 : i32
    %add3A_51 = arith.constant 256 : i32
    %add3A_52 = arith.addi %mul3A_50, %add3A_51 : i32
    "tpu.region"() ({
      %run_scoped3A = tpu.sem_alloc : memref<!tpu.dma_semaphore, #tpu.memory_space<semaphore_mem>>
      %dma_start3A = arith.constant 0 : i32
      %dma_start3A_70 = tpu.memref_slice %arg6[%add3A_52, %dma_start3A] : memref<10240x128xf32, #tpu.memory_space<vmem_shared>> -> memref<128x128xf32, #tpu.memory_space<vmem_shared>>
      %dma_start3A_71 = arith.constant 0 : i32
      %dma_start3A_72 = tpu.memref_slice %arg6[%add3A_52, %dma_start3A_71] : memref<10240x128xf32, #tpu.memory_space<vmem_shared>> -> memref<128x128xf32, #tpu.memory_space<vmem_shared>>
      tpu.enqueue_dma source(%dma_start3A_72 : memref<128x128xf32, #tpu.memory_space<vmem_shared>>) target(%arg9 : memref<128x128xf32, #tpu.memory_space<vmem>>) target_semaphore(%run_scoped3A : memref<!tpu.dma_semaphore, #tpu.memory_space<semaphore_mem>>)
      %dma_wait3A = arith.constant 0 : i32
      %dma_wait3A_73 = tpu.memref_slice %arg6[%add3A_52, %dma_wait3A] : memref<10240x128xf32, #tpu.memory_space<vmem_shared>> -> memref<128x128xf32, #tpu.memory_space<vmem_shared>>
      %dma_wait3A_74 = arith.constant 0 : i32
      %dma_wait3A_75 = tpu.memref_slice %arg6[%add3A_52, %dma_wait3A_74] : memref<10240x128xf32, #tpu.memory_space<vmem_shared>> -> memref<128x128xf32, #tpu.memory_space<vmem_shared>>
      tpu.wait_dma2 semaphore(%run_scoped3A : memref<!tpu.dma_semaphore, #tpu.memory_space<semaphore_mem>>) src(%dma_wait3A_75 : memref<128x128xf32, #tpu.memory_space<vmem_shared>>) dst(%arg9 : memref<128x128xf32, #tpu.memory_space<vmem>>)
      tpu.yield
    }) : () -> ()
    %mul3A_53 = arith.constant 10240 : i32
    %mul3A_54 = arith.muli %arg0, %mul3A_53 : i32
    %add3A_55 = arith.addi %mul3A_54, %add3A_52 : i32
    "tpu.region"() ({
      %run_scoped3A = tpu.sem_alloc : memref<!tpu.dma_semaphore, #tpu.memory_space<semaphore_mem>>
      %dma_start3A = arith.constant 0 : i32
      %dma_start3A_70 = tpu.memref_slice %arg5[%add3A_55, %dma_start3A] : memref<20480x128xf32, #tpu.memory_space<hbm>> -> memref<128x128xf32, #tpu.memory_space<hbm>>
      %dma_start3A_71 = arith.constant 0 : i32
      %dma_start3A_72 = tpu.memref_slice %arg5[%add3A_55, %dma_start3A_71] : memref<20480x128xf32, #tpu.memory_space<hbm>> -> memref<128x128xf32, #tpu.memory_space<hbm>>
      tpu.enqueue_dma source(%arg9 : memref<128x128xf32, #tpu.memory_space<vmem>>) target(%dma_start3A_72 : memref<128x128xf32, #tpu.memory_space<hbm>>) target_semaphore(%run_scoped3A : memref<!tpu.dma_semaphore, #tpu.memory_space<semaphore_mem>>)
      %dma_wait3A = arith.constant 0 : i32
      %dma_wait3A_73 = tpu.memref_slice %arg5[%add3A_55, %dma_wait3A] : memref<20480x128xf32, #tpu.memory_space<hbm>> -> memref<128x128xf32, #tpu.memory_space<hbm>>
      %dma_wait3A_74 = arith.constant 0 : i32
      %dma_wait3A_75 = tpu.memref_slice %arg5[%add3A_55, %dma_wait3A_74] : memref<20480x128xf32, #tpu.memory_space<hbm>> -> memref<128x128xf32, #tpu.memory_space<hbm>>
      tpu.wait_dma2 semaphore(%run_scoped3A : memref<!tpu.dma_semaphore, #tpu.memory_space<semaphore_mem>>) src(%arg9 : memref<128x128xf32, #tpu.memory_space<vmem>>) dst(%dma_wait3A_75 : memref<128x128xf32, #tpu.memory_space<hbm>>)
      tpu.yield
    }) : () -> ()
    %mul3A_56 = arith.constant 640 : i32
    %mul3A_57 = arith.muli %arg1, %mul3A_56 : i32
    %add3A_58 = arith.constant 384 : i32
    %add3A_59 = arith.addi %mul3A_57, %add3A_58 : i32
    "tpu.region"() ({
      %run_scoped3A = tpu.sem_alloc : memref<!tpu.dma_semaphore, #tpu.memory_space<semaphore_mem>>
      %dma_start3A = arith.constant 0 : i32
      %dma_start3A_70 = tpu.memref_slice %arg6[%add3A_59, %dma_start3A] : memref<10240x128xf32, #tpu.memory_space<vmem_shared>> -> memref<128x128xf32, #tpu.memory_space<vmem_shared>>
      %dma_start3A_71 = arith.constant 0 : i32
      %dma_start3A_72 = tpu.memref_slice %arg6[%add3A_59, %dma_start3A_71] : memref<10240x128xf32, #tpu.memory_space<vmem_shared>> -> memref<128x128xf32, #tpu.memory_space<vmem_shared>>
      tpu.enqueue_dma source(%dma_start3A_72 : memref<128x128xf32, #tpu.memory_space<vmem_shared>>) target(%arg9 : memref<128x128xf32, #tpu.memory_space<vmem>>) target_semaphore(%run_scoped3A : memref<!tpu.dma_semaphore, #tpu.memory_space<semaphore_mem>>)
      %dma_wait3A = arith.constant 0 : i32
      %dma_wait3A_73 = tpu.memref_slice %arg6[%add3A_59, %dma_wait3A] : memref<10240x128xf32, #tpu.memory_space<vmem_shared>> -> memref<128x128xf32, #tpu.memory_space<vmem_shared>>
      %dma_wait3A_74 = arith.constant 0 : i32
      %dma_wait3A_75 = tpu.memref_slice %arg6[%add3A_59, %dma_wait3A_74] : memref<10240x128xf32, #tpu.memory_space<vmem_shared>> -> memref<128x128xf32, #tpu.memory_space<vmem_shared>>
      tpu.wait_dma2 semaphore(%run_scoped3A : memref<!tpu.dma_semaphore, #tpu.memory_space<semaphore_mem>>) src(%dma_wait3A_75 : memref<128x128xf32, #tpu.memory_space<vmem_shared>>) dst(%arg9 : memref<128x128xf32, #tpu.memory_space<vmem>>)
      tpu.yield
    }) : () -> ()
    %mul3A_60 = arith.constant 10240 : i32
    %mul3A_61 = arith.muli %arg0, %mul3A_60 : i32
    %add3A_62 = arith.addi %mul3A_61, %add3A_59 : i32
    "tpu.region"() ({
      %run_scoped3A = tpu.sem_alloc : memref<!tpu.dma_semaphore, #tpu.memory_space<semaphore_mem>>
      %dma_start3A = arith.constant 0 : i32
      %dma_start3A_70 = tpu.memref_slice %arg5[%add3A_62, %dma_start3A] : memref<20480x128xf32, #tpu.memory_space<hbm>> -> memref<128x128xf32, #tpu.memory_space<hbm>>
      %dma_start3A_71 = arith.constant 0 : i32
      %dma_start3A_72 = tpu.memref_slice %arg5[%add3A_62, %dma_start3A_71] : memref<20480x128xf32, #tpu.memory_space<hbm>> -> memref<128x128xf32, #tpu.memory_space<hbm>>
      tpu.enqueue_dma source(%arg9 : memref<128x128xf32, #tpu.memory_space<vmem>>) target(%dma_start3A_72 : memref<128x128xf32, #tpu.memory_space<hbm>>) target_semaphore(%run_scoped3A : memref<!tpu.dma_semaphore, #tpu.memory_space<semaphore_mem>>)
      %dma_wait3A = arith.constant 0 : i32
      %dma_wait3A_73 = tpu.memref_slice %arg5[%add3A_62, %dma_wait3A] : memref<20480x128xf32, #tpu.memory_space<hbm>> -> memref<128x128xf32, #tpu.memory_space<hbm>>
      %dma_wait3A_74 = arith.constant 0 : i32
      %dma_wait3A_75 = tpu.memref_slice %arg5[%add3A_62, %dma_wait3A_74] : memref<20480x128xf32, #tpu.memory_space<hbm>> -> memref<128x128xf32, #tpu.memory_space<hbm>>
      tpu.wait_dma2 semaphore(%run_scoped3A : memref<!tpu.dma_semaphore, #tpu.memory_space<semaphore_mem>>) src(%arg9 : memref<128x128xf32, #tpu.memory_space<vmem>>) dst(%dma_wait3A_75 : memref<128x128xf32, #tpu.memory_space<hbm>>)
      tpu.yield
    }) : () -> ()
    %mul3A_63 = arith.constant 640 : i32
    %mul3A_64 = arith.muli %arg1, %mul3A_63 : i32
    %add3A_65 = arith.constant 512 : i32
    %add3A_66 = arith.addi %mul3A_64, %add3A_65 : i32
    "tpu.region"() ({
      %run_scoped3A = tpu.sem_alloc : memref<!tpu.dma_semaphore, #tpu.memory_space<semaphore_mem>>
      %dma_start3A = arith.constant 0 : i32
      %dma_start3A_70 = tpu.memref_slice %arg6[%add3A_66, %dma_start3A] : memref<10240x128xf32, #tpu.memory_space<vmem_shared>> -> memref<128x128xf32, #tpu.memory_space<vmem_shared>>
      %dma_start3A_71 = arith.constant 0 : i32
      %dma_start3A_72 = tpu.memref_slice %arg6[%add3A_66, %dma_start3A_71] : memref<10240x128xf32, #tpu.memory_space<vmem_shared>> -> memref<128x128xf32, #tpu.memory_space<vmem_shared>>
      tpu.enqueue_dma source(%dma_start3A_72 : memref<128x128xf32, #tpu.memory_space<vmem_shared>>) target(%arg9 : memref<128x128xf32, #tpu.memory_space<vmem>>) target_semaphore(%run_scoped3A : memref<!tpu.dma_semaphore, #tpu.memory_space<semaphore_mem>>)
      %dma_wait3A = arith.constant 0 : i32
      %dma_wait3A_73 = tpu.memref_slice %arg6[%add3A_66, %dma_wait3A] : memref<10240x128xf32, #tpu.memory_space<vmem_shared>> -> memref<128x128xf32, #tpu.memory_space<vmem_shared>>
      %dma_wait3A_74 = arith.constant 0 : i32
      %dma_wait3A_75 = tpu.memref_slice %arg6[%add3A_66, %dma_wait3A_74] : memref<10240x128xf32, #tpu.memory_space<vmem_shared>> -> memref<128x128xf32, #tpu.memory_space<vmem_shared>>
      tpu.wait_dma2 semaphore(%run_scoped3A : memref<!tpu.dma_semaphore, #tpu.memory_space<semaphore_mem>>) src(%dma_wait3A_75 : memref<128x128xf32, #tpu.memory_space<vmem_shared>>) dst(%arg9 : memref<128x128xf32, #tpu.memory_space<vmem>>)
      tpu.yield
    }) : () -> ()
    %mul3A_67 = arith.constant 10240 : i32
    %mul3A_68 = arith.muli %arg0, %mul3A_67 : i32
    %add3A_69 = arith.addi %mul3A_68, %add3A_66 : i32
    "tpu.region"() ({
      %run_scoped3A = tpu.sem_alloc : memref<!tpu.dma_semaphore, #tpu.memory_space<semaphore_mem>>
      %dma_start3A = arith.constant 0 : i32
      %dma_start3A_70 = tpu.memref_slice %arg5[%add3A_69, %dma_start3A] : memref<20480x128xf32, #tpu.memory_space<hbm>> -> memref<128x128xf32, #tpu.memory_space<hbm>>
      %dma_start3A_71 = arith.constant 0 : i32
      %dma_start3A_72 = tpu.memref_slice %arg5[%add3A_69, %dma_start3A_71] : memref<20480x128xf32, #tpu.memory_space<hbm>> -> memref<128x128xf32, #tpu.memory_space<hbm>>
      tpu.enqueue_dma source(%arg9 : memref<128x128xf32, #tpu.memory_space<vmem>>) target(%dma_start3A_72 : memref<128x128xf32, #tpu.memory_space<hbm>>) target_semaphore(%run_scoped3A : memref<!tpu.dma_semaphore, #tpu.memory_space<semaphore_mem>>)
      %dma_wait3A = arith.constant 0 : i32
      %dma_wait3A_73 = tpu.memref_slice %arg5[%add3A_69, %dma_wait3A] : memref<20480x128xf32, #tpu.memory_space<hbm>> -> memref<128x128xf32, #tpu.memory_space<hbm>>
      %dma_wait3A_74 = arith.constant 0 : i32
      %dma_wait3A_75 = tpu.memref_slice %arg5[%add3A_69, %dma_wait3A_74] : memref<20480x128xf32, #tpu.memory_space<hbm>> -> memref<128x128xf32, #tpu.memory_space<hbm>>
      tpu.wait_dma2 semaphore(%run_scoped3A : memref<!tpu.dma_semaphore, #tpu.memory_space<semaphore_mem>>) src(%arg9 : memref<128x128xf32, #tpu.memory_space<vmem>>) dst(%dma_wait3A_75 : memref<128x128xf32, #tpu.memory_space<hbm>>)
      tpu.yield
    }) : () -> ()
    return
  }
}

#map = affine_map<(d0, d1) -> (0, 0)>
#map1 = affine_map<(d0, d1) -> (0)>
module attributes {stable_mosaic.version = 14 : i64} {
  func.func @deg_kernel(%arg0: i32, %arg1: i32, %arg2: memref<2560x128xi32, #tpu.memory_space<hbm>>, %arg3: memref<20480xf32, #tpu.memory_space<hbm>>, %arg4: memref<10240xf32, #tpu.memory_space<vmem_shared>>, %arg5: memref<80x128xi32, #tpu.memory_space<vmem>>, %arg6: memref<128xf32, #tpu.memory_space<vmem>>, %arg7: memref<640xf32, #tpu.memory_space<vmem>>) attributes {dimension_semantics = [#tpu.dimension_semantics<core_parallel>, #tpu.dimension_semantics<subcore_parallel>], iteration_bounds = array<i64: 2, 16>, scalar_prefetch = 0 : i64, scratch_operands = 4 : i64, tpu.core_type = #tpu.core_type<sc_vector_subcore>, window_params = [{transform_indices = #map}, {transform_indices = #map1}]} {
    %mul3A = arith.constant 16 : i32
    %mul3A_0 = arith.muli %arg0, %mul3A : i32
    %add3A = arith.addi %mul3A_0, %arg1 : i32
    %scan3A = arith.constant 0 : i32
    %scan3A_1 = arith.constant 0 : i32
    %scan3A_2 = arith.constant 40 : i32
    %scan3A_3 = arith.addi %scan3A_1, %scan3A_2 : i32
    %scan3A_4 = arith.constant 1 : i32
    %scan3A_5 = scf.for %scan3A_70 = %scan3A_1 to %scan3A_3 step %scan3A_4 iter_args(%scan3A_71 = %scan3A) -> (i32)  : i32 {
      %broadcast_in_dim3A_72 = arith.constant 0.000000e+00 : f32
      %broadcast_in_dim3A_73 = vector.broadcast %broadcast_in_dim3A_72 : f32 to vector<16xf32>
      %mul3A_74 = arith.constant 16 : i32
      %mul3A_75 = arith.muli %scan3A_70, %mul3A_74 : i32
      %swap3A_76 = arith.index_cast %mul3A_75 : i32 to index
      %swap3A_77 = tpu.vector_load %arg7[%swap3A_76] {strides = array<i32>} : memref<640xf32, #tpu.memory_space<vmem>>, vector<16xf32>,
      %swap3A_78 = vector.shape_cast %swap3A_77 : vector<16xf32> to vector<16xf32>
      %swap3A_79 = vector.shape_cast %broadcast_in_dim3A_73 : vector<16xf32> to vector<16xf32>
      tpu.vector_store %arg7[%swap3A_76], %swap3A_79 {strides = array<i32>} : memref<640xf32, #tpu.memory_space<vmem>>, vector<16xf32>,
      %scan3A_80 = arith.constant 0 : i32
      scf.yield %scan3A_80 : i32
    }
    %scan3A_6 = arith.constant 40 : i32
    %broadcast_in_dim3A = arith.constant 1.000000e+00 : f32
    %broadcast_in_dim3A_7 = vector.broadcast %broadcast_in_dim3A : f32 to vector<16xf32>
    %swap3A = arith.constant 0 : index
    %swap3A_8 = tpu.vector_load %arg6[%swap3A] {strides = array<i32>} : memref<128xf32, #tpu.memory_space<vmem>>, vector<16xf32>,
    %swap3A_9 = vector.shape_cast %swap3A_8 : vector<16xf32> to vector<16xf32>
    %swap3A_10 = vector.shape_cast %broadcast_in_dim3A_7 : vector<16xf32> to vector<16xf32>
    tpu.vector_store %arg6[%swap3A], %swap3A_10 {strides = array<i32>} : memref<128xf32, #tpu.memory_space<vmem>>, vector<16xf32>,
    %broadcast_in_dim3A_11 = arith.constant 1.000000e+00 : f32
    %broadcast_in_dim3A_12 = vector.broadcast %broadcast_in_dim3A_11 : f32 to vector<16xf32>
    %swap3A_13 = arith.constant 16 : index
    %swap3A_14 = tpu.vector_load %arg6[%swap3A_13] {strides = array<i32>} : memref<128xf32, #tpu.memory_space<vmem>>, vector<16xf32>,
    %swap3A_15 = vector.shape_cast %swap3A_14 : vector<16xf32> to vector<16xf32>
    %swap3A_16 = vector.shape_cast %broadcast_in_dim3A_12 : vector<16xf32> to vector<16xf32>
    tpu.vector_store %arg6[%swap3A_13], %swap3A_16 {strides = array<i32>} : memref<128xf32, #tpu.memory_space<vmem>>, vector<16xf32>,
    %broadcast_in_dim3A_17 = arith.constant 1.000000e+00 : f32
    %broadcast_in_dim3A_18 = vector.broadcast %broadcast_in_dim3A_17 : f32 to vector<16xf32>
    %swap3A_19 = arith.constant 32 : index
    %swap3A_20 = tpu.vector_load %arg6[%swap3A_19] {strides = array<i32>} : memref<128xf32, #tpu.memory_space<vmem>>, vector<16xf32>,
    %swap3A_21 = vector.shape_cast %swap3A_20 : vector<16xf32> to vector<16xf32>
    %swap3A_22 = vector.shape_cast %broadcast_in_dim3A_18 : vector<16xf32> to vector<16xf32>
    tpu.vector_store %arg6[%swap3A_19], %swap3A_22 {strides = array<i32>} : memref<128xf32, #tpu.memory_space<vmem>>, vector<16xf32>,
    %broadcast_in_dim3A_23 = arith.constant 1.000000e+00 : f32
    %broadcast_in_dim3A_24 = vector.broadcast %broadcast_in_dim3A_23 : f32 to vector<16xf32>
    %swap3A_25 = arith.constant 48 : index
    %swap3A_26 = tpu.vector_load %arg6[%swap3A_25] {strides = array<i32>} : memref<128xf32, #tpu.memory_space<vmem>>, vector<16xf32>,
    %swap3A_27 = vector.shape_cast %swap3A_26 : vector<16xf32> to vector<16xf32>
    %swap3A_28 = vector.shape_cast %broadcast_in_dim3A_24 : vector<16xf32> to vector<16xf32>
    tpu.vector_store %arg6[%swap3A_25], %swap3A_28 {strides = array<i32>} : memref<128xf32, #tpu.memory_space<vmem>>, vector<16xf32>,
    %broadcast_in_dim3A_29 = arith.constant 1.000000e+00 : f32
    %broadcast_in_dim3A_30 = vector.broadcast %broadcast_in_dim3A_29 : f32 to vector<16xf32>
    %swap3A_31 = arith.constant 64 : index
    %swap3A_32 = tpu.vector_load %arg6[%swap3A_31] {strides = array<i32>} : memref<128xf32, #tpu.memory_space<vmem>>, vector<16xf32>,
    %swap3A_33 = vector.shape_cast %swap3A_32 : vector<16xf32> to vector<16xf32>
    %swap3A_34 = vector.shape_cast %broadcast_in_dim3A_30 : vector<16xf32> to vector<16xf32>
    tpu.vector_store %arg6[%swap3A_31], %swap3A_34 {strides = array<i32>} : memref<128xf32, #tpu.memory_space<vmem>>, vector<16xf32>,
    %broadcast_in_dim3A_35 = arith.constant 1.000000e+00 : f32
    %broadcast_in_dim3A_36 = vector.broadcast %broadcast_in_dim3A_35 : f32 to vector<16xf32>
    %swap3A_37 = arith.constant 80 : index
    %swap3A_38 = tpu.vector_load %arg6[%swap3A_37] {strides = array<i32>} : memref<128xf32, #tpu.memory_space<vmem>>, vector<16xf32>,
    %swap3A_39 = vector.shape_cast %swap3A_38 : vector<16xf32> to vector<16xf32>
    %swap3A_40 = vector.shape_cast %broadcast_in_dim3A_36 : vector<16xf32> to vector<16xf32>
    tpu.vector_store %arg6[%swap3A_37], %swap3A_40 {strides = array<i32>} : memref<128xf32, #tpu.memory_space<vmem>>, vector<16xf32>,
    %broadcast_in_dim3A_41 = arith.constant 1.000000e+00 : f32
    %broadcast_in_dim3A_42 = vector.broadcast %broadcast_in_dim3A_41 : f32 to vector<16xf32>
    %swap3A_43 = arith.constant 96 : index
    %swap3A_44 = tpu.vector_load %arg6[%swap3A_43] {strides = array<i32>} : memref<128xf32, #tpu.memory_space<vmem>>, vector<16xf32>,
    %swap3A_45 = vector.shape_cast %swap3A_44 : vector<16xf32> to vector<16xf32>
    %swap3A_46 = vector.shape_cast %broadcast_in_dim3A_42 : vector<16xf32> to vector<16xf32>
    tpu.vector_store %arg6[%swap3A_43], %swap3A_46 {strides = array<i32>} : memref<128xf32, #tpu.memory_space<vmem>>, vector<16xf32>,
    %broadcast_in_dim3A_47 = arith.constant 1.000000e+00 : f32
    %broadcast_in_dim3A_48 = vector.broadcast %broadcast_in_dim3A_47 : f32 to vector<16xf32>
    %swap3A_49 = arith.constant 112 : index
    %swap3A_50 = tpu.vector_load %arg6[%swap3A_49] {strides = array<i32>} : memref<128xf32, #tpu.memory_space<vmem>>, vector<16xf32>,
    %swap3A_51 = vector.shape_cast %swap3A_50 : vector<16xf32> to vector<16xf32>
    %swap3A_52 = vector.shape_cast %broadcast_in_dim3A_48 : vector<16xf32> to vector<16xf32>
    tpu.vector_store %arg6[%swap3A_49], %swap3A_52 {strides = array<i32>} : memref<128xf32, #tpu.memory_space<vmem>>, vector<16xf32>,
    %mul3A_53 = arith.constant 640 : i32
    %mul3A_54 = arith.muli %arg1, %mul3A_53 : i32
    "tpu.region"() ({
      %run_scoped3A = tpu.sem_alloc : memref<!tpu.dma_semaphore, #tpu.memory_space<semaphore_mem>>
      %dma_start3A = tpu.memref_slice %arg4[%mul3A_54] : memref<10240xf32, #tpu.memory_space<vmem_shared>> -> memref<640xf32, #tpu.memory_space<vmem_shared>>
      %dma_start3A_70 = tpu.memref_slice %arg4[%mul3A_54] : memref<10240xf32, #tpu.memory_space<vmem_shared>> -> memref<640xf32, #tpu.memory_space<vmem_shared>>
      tpu.enqueue_dma source(%arg7 : memref<640xf32, #tpu.memory_space<vmem>>) target(%dma_start3A_70 : memref<640xf32, #tpu.memory_space<vmem_shared>>) target_semaphore(%run_scoped3A : memref<!tpu.dma_semaphore, #tpu.memory_space<semaphore_mem>>)
      %dma_wait3A = tpu.memref_slice %arg4[%mul3A_54] : memref<10240xf32, #tpu.memory_space<vmem_shared>> -> memref<640xf32, #tpu.memory_space<vmem_shared>>
      %dma_wait3A_71 = tpu.memref_slice %arg4[%mul3A_54] : memref<10240xf32, #tpu.memory_space<vmem_shared>> -> memref<640xf32, #tpu.memory_space<vmem_shared>>
      tpu.wait_dma2 semaphore(%run_scoped3A : memref<!tpu.dma_semaphore, #tpu.memory_space<semaphore_mem>>) src(%arg7 : memref<640xf32, #tpu.memory_space<vmem>>) dst(%dma_wait3A_71 : memref<640xf32, #tpu.memory_space<vmem_shared>>)
      tpu.yield
    }) : () -> ()
    %mul3A_55 = arith.constant 80 : i32
    %mul3A_56 = arith.muli %add3A, %mul3A_55 : i32
    "tpu.region"() ({
      %run_scoped3A = tpu.sem_alloc : memref<!tpu.dma_semaphore, #tpu.memory_space<semaphore_mem>>
      %dma_start3A = arith.constant 0 : i32
      %dma_start3A_70 = tpu.memref_slice %arg2[%mul3A_56, %dma_start3A] : memref<2560x128xi32, #tpu.memory_space<hbm>> -> memref<80x128xi32, #tpu.memory_space<hbm>>
      %dma_start3A_71 = arith.constant 0 : i32
      %dma_start3A_72 = tpu.memref_slice %arg2[%mul3A_56, %dma_start3A_71] : memref<2560x128xi32, #tpu.memory_space<hbm>> -> memref<80x128xi32, #tpu.memory_space<hbm>>
      tpu.enqueue_dma source(%dma_start3A_72 : memref<80x128xi32, #tpu.memory_space<hbm>>) target(%arg5 : memref<80x128xi32, #tpu.memory_space<vmem>>) target_semaphore(%run_scoped3A : memref<!tpu.dma_semaphore, #tpu.memory_space<semaphore_mem>>)
      %dma_wait3A = arith.constant 0 : i32
      %dma_wait3A_73 = tpu.memref_slice %arg2[%mul3A_56, %dma_wait3A] : memref<2560x128xi32, #tpu.memory_space<hbm>> -> memref<80x128xi32, #tpu.memory_space<hbm>>
      %dma_wait3A_74 = arith.constant 0 : i32
      %dma_wait3A_75 = tpu.memref_slice %arg2[%mul3A_56, %dma_wait3A_74] : memref<2560x128xi32, #tpu.memory_space<hbm>> -> memref<80x128xi32, #tpu.memory_space<hbm>>
      tpu.wait_dma2 semaphore(%run_scoped3A : memref<!tpu.dma_semaphore, #tpu.memory_space<semaphore_mem>>) src(%dma_wait3A_75 : memref<80x128xi32, #tpu.memory_space<hbm>>) dst(%arg5 : memref<80x128xi32, #tpu.memory_space<vmem>>)
      tpu.yield
    }) : () -> ()
    %barrier3A = arith.constant 0 : index
    tpu.barrier barrier_id(%barrier3A)
    %scan3A_57 = arith.constant 0 : i32
    %scan3A_58 = arith.constant 0 : i32
    %scan3A_59 = arith.constant 80 : i32
    %scan3A_60 = arith.addi %scan3A_58, %scan3A_59 : i32
    %scan3A_61 = arith.constant 1 : i32
    %scan3A_62 = scf.for %scan3A_70 = %scan3A_58 to %scan3A_60 step %scan3A_61 iter_args(%scan3A_71 = %scan3A_57) -> (i32)  : i32 {
      "tpu.region"() ({
        %run_scoped3A = tpu.sem_alloc : memref<!tpu.dma_semaphore, #tpu.memory_space<semaphore_mem>>
        %dma_start3A = arith.constant 0 : i32
        %dma_start3A_73 = tpu.memref_slice %arg5[%scan3A_70, %dma_start3A] : memref<80x128xi32, #tpu.memory_space<vmem>> -> memref<1x128xi32, #tpu.memory_space<vmem>>
        %dma_start3A_74 = tpu.memref_squeeze %dma_start3A_73 : memref<1x128xi32, #tpu.memory_space<vmem>> -> memref<128xi32, #tpu.memory_space<vmem>>
        %dma_start3A_75 = arith.constant 0 : i32
        %dma_start3A_76 = tpu.memref_slice %arg4[%dma_start3A_75] : memref<10240xf32, #tpu.memory_space<vmem_shared>> -> memref<10240xf32, #tpu.memory_space<vmem_shared>>
        tpu.enqueue_indirect_dma source(%arg6 : memref<128xf32, #tpu.memory_space<vmem>>) target(%dma_start3A_76 : memref<10240xf32, #tpu.memory_space<vmem_shared>>) offsets(%dma_start3A_74 : memref<128xi32, #tpu.memory_space<vmem>>) semaphore(%run_scoped3A : memref<!tpu.dma_semaphore, #tpu.memory_space<semaphore_mem>>) {add = true}
        %dma_wait3A = arith.constant 0 : i32
        %dma_wait3A_77 = tpu.memref_slice %arg5[%scan3A_70, %dma_wait3A] : memref<80x128xi32, #tpu.memory_space<vmem>> -> memref<1x128xi32, #tpu.memory_space<vmem>>
        %dma_wait3A_78 = tpu.memref_squeeze %dma_wait3A_77 : memref<1x128xi32, #tpu.memory_space<vmem>> -> memref<128xi32, #tpu.memory_space<vmem>>
        %dma_wait3A_79 = arith.constant 0 : i32
        %dma_wait3A_80 = tpu.memref_slice %arg4[%dma_wait3A_79] : memref<10240xf32, #tpu.memory_space<vmem_shared>> -> memref<10240xf32, #tpu.memory_space<vmem_shared>>
        tpu.wait_indirect_dma semaphore(%run_scoped3A : memref<!tpu.dma_semaphore, #tpu.memory_space<semaphore_mem>>) src(%arg6 : memref<128xf32, #tpu.memory_space<vmem>>) dst(%dma_wait3A_80 : memref<10240xf32, #tpu.memory_space<vmem_shared>>)
        tpu.yield
      }) : () -> ()
      %scan3A_72 = arith.constant 0 : i32
      scf.yield %scan3A_72 : i32
    }
    %scan3A_63 = arith.constant 80 : i32
    %barrier3A_64 = arith.constant 0 : index
    tpu.barrier barrier_id(%barrier3A_64)
    %mul3A_65 = arith.constant 640 : i32
    %mul3A_66 = arith.muli %arg1, %mul3A_65 : i32
    "tpu.region"() ({
      %run_scoped3A = tpu.sem_alloc : memref<!tpu.dma_semaphore, #tpu.memory_space<semaphore_mem>>
      %dma_start3A = tpu.memref_slice %arg4[%mul3A_66] : memref<10240xf32, #tpu.memory_space<vmem_shared>> -> memref<640xf32, #tpu.memory_space<vmem_shared>>
      %dma_start3A_70 = tpu.memref_slice %arg4[%mul3A_66] : memref<10240xf32, #tpu.memory_space<vmem_shared>> -> memref<640xf32, #tpu.memory_space<vmem_shared>>
      tpu.enqueue_dma source(%dma_start3A_70 : memref<640xf32, #tpu.memory_space<vmem_shared>>) target(%arg7 : memref<640xf32, #tpu.memory_space<vmem>>) target_semaphore(%run_scoped3A : memref<!tpu.dma_semaphore, #tpu.memory_space<semaphore_mem>>)
      %dma_wait3A = tpu.memref_slice %arg4[%mul3A_66] : memref<10240xf32, #tpu.memory_space<vmem_shared>> -> memref<640xf32, #tpu.memory_space<vmem_shared>>
      %dma_wait3A_71 = tpu.memref_slice %arg4[%mul3A_66] : memref<10240xf32, #tpu.memory_space<vmem_shared>> -> memref<640xf32, #tpu.memory_space<vmem_shared>>
      tpu.wait_dma2 semaphore(%run_scoped3A : memref<!tpu.dma_semaphore, #tpu.memory_space<semaphore_mem>>) src(%dma_wait3A_71 : memref<640xf32, #tpu.memory_space<vmem_shared>>) dst(%arg7 : memref<640xf32, #tpu.memory_space<vmem>>)
      tpu.yield
    }) : () -> ()
    %mul3A_67 = arith.constant 10240 : i32
    %mul3A_68 = arith.muli %arg0, %mul3A_67 : i32
    %add3A_69 = arith.addi %mul3A_68, %mul3A_66 : i32
    "tpu.region"() ({
      %run_scoped3A = tpu.sem_alloc : memref<!tpu.dma_semaphore, #tpu.memory_space<semaphore_mem>>
      %dma_start3A = tpu.memref_slice %arg3[%add3A_69] : memref<20480xf32, #tpu.memory_space<hbm>> -> memref<640xf32, #tpu.memory_space<hbm>>
      %dma_start3A_70 = tpu.memref_slice %arg3[%add3A_69] : memref<20480xf32, #tpu.memory_space<hbm>> -> memref<640xf32, #tpu.memory_space<hbm>>
      tpu.enqueue_dma source(%arg7 : memref<640xf32, #tpu.memory_space<vmem>>) target(%dma_start3A_70 : memref<640xf32, #tpu.memory_space<hbm>>) target_semaphore(%run_scoped3A : memref<!tpu.dma_semaphore, #tpu.memory_space<semaphore_mem>>)
      %dma_wait3A = tpu.memref_slice %arg3[%add3A_69] : memref<20480xf32, #tpu.memory_space<hbm>> -> memref<640xf32, #tpu.memory_space<hbm>>
      %dma_wait3A_71 = tpu.memref_slice %arg3[%add3A_69] : memref<20480xf32, #tpu.memory_space<hbm>> -> memref<640xf32, #tpu.memory_space<hbm>>
      tpu.wait_dma2 semaphore(%run_scoped3A : memref<!tpu.dma_semaphore, #tpu.memory_space<semaphore_mem>>) src(%arg7 : memref<640xf32, #tpu.memory_space<vmem>>) dst(%dma_wait3A_71 : memref<640xf32, #tpu.memory_space<hbm>>)
      tpu.yield
    }) : () -> ()
    return
  }
}

module attributes {stable_mosaic.version = 14 : i64} {
  func.func @_tc1_body(%arg0: i32, %arg1: memref<1024x128xf32, #tpu.memory_space<vmem>>, %arg2: memref<1024x128xf32, #tpu.memory_space<vmem>>, %arg3: memref<128x128xf32, #tpu.memory_space<vmem>>, %arg4: memref<1x128xf32, #tpu.memory_space<vmem>>, %arg5: memref<128x128xf32, #tpu.memory_space<vmem>>, %arg6: memref<1x128xf32, #tpu.memory_space<vmem>>, %arg7: memref<128x128xf32, #tpu.memory_space<vmem>>, %arg8: memref<1x128xf32, #tpu.memory_space<vmem>>, %arg9: memref<1024x128xf32, #tpu.memory_space<vmem>>, %arg10: memref<1024x128xf32, #tpu.memory_space<vmem>>, %arg11: memref<128x128xf32, #tpu.memory_space<vmem>>, %arg12: memref<8x128xf32, #tpu.memory_space<vmem>>, %arg13: memref<128x128xf32, #tpu.memory_space<vmem>>, %arg14: memref<8x128xf32, #tpu.memory_space<vmem>>) attributes {dimension_semantics = [#tpu.dimension_semantics<arbitrary>], iteration_bounds = array<i64: 10>, scalar_prefetch = 0 : i64, scratch_operands = 2 : i64, tpu.core_type = #tpu.core_type<tc>, window_params = [{transform_indices = @transform_0, window_bounds = array<i64: 1024, 128>}, {transform_indices = @transform_1, window_bounds = array<i64: 1024, 128>}, {pipeline_mode = #tpu.pipeline_mode<synchronous>, transform_indices = @transform_2, window_bounds = array<i64: 128, 128>}, {pipeline_mode = #tpu.pipeline_mode<synchronous>, transform_indices = @transform_3, window_bounds = array<i64: 1, 128>}, {pipeline_mode = #tpu.pipeline_mode<synchronous>, transform_indices = @transform_4, window_bounds = array<i64: 128, 128>}, {pipeline_mode = #tpu.pipeline_mode<synchronous>, transform_indices = @transform_5, window_bounds = array<i64: 1, 128>}, {pipeline_mode = #tpu.pipeline_mode<synchronous>, transform_indices = @transform_6, window_bounds = array<i64: 128, 128>}, {pipeline_mode = #tpu.pipeline_mode<synchronous>, transform_indices = @transform_7, window_bounds = array<i64: 1, 128>}, {transform_indices = @transform_8, window_bounds = array<i64: 1024, 128>}, {transform_indices = @transform_9, window_bounds = array<i64: 1024, 128>}, {pipeline_mode = #tpu.pipeline_mode<synchronous>, transform_indices = @transform_10, window_bounds = array<i64: 128, 128>}, {pipeline_mode = #tpu.pipeline_mode<synchronous>, transform_indices = @transform_11, window_bounds = array<i64: 8, 128>}]} {
    %iota3A = tpu.iota {dimensions = array<i32: 0>} : vector<1024x1xi32>
    %mul3A = arith.constant 1024 : i32
    %mul3A_0 = arith.muli %arg0, %mul3A : i32
    %add3A = vector.broadcast %mul3A_0 : i32 to vector<1024x1xi32>
    %add3A_1 = arith.addi %iota3A, %add3A : vector<1024x1xi32>
    %lt3A = arith.constant 10000 : i32
    %lt3A_2 = vector.broadcast %lt3A : i32 to vector<1024x1xi32>
    %lt3A_3 = arith.cmpi slt, %add3A_1, %lt3A_2 : vector<1024x1xi32>
    %get3A = arith.constant 0 : index
    %get3A_4 = arith.constant 0 : index
    %get3A_5 = vector.load %arg1[%get3A, %get3A_4] : memref<1024x128xf32, #tpu.memory_space<vmem>>, vector<1024x128xf32>
    %get3A_6 = arith.constant 0 : index
    %get3A_7 = arith.constant 0 : index
    %get3A_8 = vector.load %arg3[%get3A_6, %get3A_7] : memref<128x128xf32, #tpu.memory_space<vmem>>, vector<128x128xf32>
    %dot_general3A = arith.constant dense<0.000000e+00> : vector<1024x128xf32>
    %dot_general3A_9 = tpu.matmul %get3A_5, %get3A_8, %dot_general3A {dimension_numbers = #tpu.dot_dimension_numbers<[1], [0], [0], [1], [0, 0, 1, 1], [], []>, transpose_lhs_hint = false} : vector<1024x128xf32>, vector<128x128xf32>, vector<1024x128xf32> -> vector<1024x128xf32>
    %get3A_10 = arith.constant 0 : index
    %get3A_11 = arith.constant 0 : index
    %get3A_12 = vector.load %arg4[%get3A_10, %get3A_11] : memref<1x128xf32, #tpu.memory_space<vmem>>, vector<1x128xf32>
    %add3A_13 = vector.broadcast %get3A_12 : vector<1x128xf32> to vector<1024x128xf32>
    %add3A_14 = arith.addf %dot_general3A_9, %add3A_13 : vector<1024x128xf32>
    %get3A_15 = arith.constant 0 : index
    %get3A_16 = arith.constant 0 : index
    %get3A_17 = vector.load %arg2[%get3A_15, %get3A_16] : memref<1024x128xf32, #tpu.memory_space<vmem>>, vector<1024x128xf32>
    %get3A_18 = arith.constant 0 : index
    %get3A_19 = arith.constant 0 : index
    %get3A_20 = vector.load %arg5[%get3A_18, %get3A_19] : memref<128x128xf32, #tpu.memory_space<vmem>>, vector<128x128xf32>
    %dot_general3A_21 = arith.constant dense<0.000000e+00> : vector<1024x128xf32>
    %dot_general3A_22 = tpu.matmul %get3A_17, %get3A_20, %dot_general3A_21 {dimension_numbers = #tpu.dot_dimension_numbers<[1], [0], [0], [1], [0, 0, 1, 1], [], []>, transpose_lhs_hint = false} : vector<1024x128xf32>, vector<128x128xf32>, vector<1024x128xf32> -> vector<1024x128xf32>
    %get3A_23 = arith.constant 0 : index
    %get3A_24 = arith.constant 0 : index
    %get3A_25 = vector.load %arg6[%get3A_23, %get3A_24] : memref<1x128xf32, #tpu.memory_space<vmem>>, vector<1x128xf32>
    %add3A_26 = vector.broadcast %get3A_25 : vector<1x128xf32> to vector<1024x128xf32>
    %add3A_27 = arith.addf %dot_general3A_22, %add3A_26 : vector<1024x128xf32>
    %get3A_28 = arith.constant 0 : index
    %get3A_29 = arith.constant 0 : index
    %get3A_30 = vector.load %arg2[%get3A_28, %get3A_29] : memref<1024x128xf32, #tpu.memory_space<vmem>>, vector<1024x128xf32>
    %get3A_31 = arith.constant 0 : index
    %get3A_32 = arith.constant 0 : index
    %get3A_33 = vector.load %arg7[%get3A_31, %get3A_32] : memref<128x128xf32, #tpu.memory_space<vmem>>, vector<128x128xf32>
    %dot_general3A_34 = arith.constant dense<0.000000e+00> : vector<1024x128xf32>
    %dot_general3A_35 = tpu.matmul %get3A_30, %get3A_33, %dot_general3A_34 {dimension_numbers = #tpu.dot_dimension_numbers<[1], [0], [0], [1], [0, 0, 1, 1], [], []>, transpose_lhs_hint = false} : vector<1024x128xf32>, vector<128x128xf32>, vector<1024x128xf32> -> vector<1024x128xf32>
    %get3A_36 = arith.constant 0 : index
    %get3A_37 = arith.constant 0 : index
    %get3A_38 = vector.load %arg8[%get3A_36, %get3A_37] : memref<1x128xf32, #tpu.memory_space<vmem>>, vector<1x128xf32>
    %add3A_39 = vector.broadcast %get3A_38 : vector<1x128xf32> to vector<1024x128xf32>
    %add3A_40 = arith.addf %dot_general3A_35, %add3A_39 : vector<1024x128xf32>
    %jit3A = arith.constant 0.000000e+00 : f32
    %broadcast_in_dim3A = vector.shape_cast %lt3A_3 : vector<1024x1xi1> to vector<1024x1xi1>
    %broadcast_in_dim3A_41 = vector.broadcast %broadcast_in_dim3A : vector<1024x1xi1> to vector<1024x128xi1>
    %broadcast_in_dim3A_42 = vector.broadcast %jit3A : f32 to vector<1024x128xf32>
    %select_n3A = arith.select %broadcast_in_dim3A_41, %add3A_14, %broadcast_in_dim3A_42 : vector<1024x128xi1>, vector<1024x128xf32>
    %jit3A_43 = arith.constant 0.000000e+00 : f32
    %broadcast_in_dim3A_44 = vector.shape_cast %lt3A_3 : vector<1024x1xi1> to vector<1024x1xi1>
    %broadcast_in_dim3A_45 = vector.broadcast %broadcast_in_dim3A_44 : vector<1024x1xi1> to vector<1024x128xi1>
    %broadcast_in_dim3A_46 = vector.broadcast %jit3A_43 : f32 to vector<1024x128xf32>
    %select_n3A_47 = arith.select %broadcast_in_dim3A_45, %add3A_27, %broadcast_in_dim3A_46 : vector<1024x128xi1>, vector<1024x128xf32>
    %jit3A_48 = arith.constant 0.000000e+00 : f32
    %broadcast_in_dim3A_49 = vector.shape_cast %lt3A_3 : vector<1024x1xi1> to vector<1024x1xi1>
    %broadcast_in_dim3A_50 = vector.broadcast %broadcast_in_dim3A_49 : vector<1024x1xi1> to vector<1024x128xi1>
    %broadcast_in_dim3A_51 = vector.broadcast %jit3A_48 : f32 to vector<1024x128xf32>
    %select_n3A_52 = arith.select %broadcast_in_dim3A_50, %add3A_40, %broadcast_in_dim3A_51 : vector<1024x128xi1>, vector<1024x128xf32>
    %swap3A = arith.constant 0 : index
    %swap3A_53 = arith.constant 0 : index
    %swap3A_54 = vector.load %arg9[%swap3A, %swap3A_53] : memref<1024x128xf32, #tpu.memory_space<vmem>>, vector<1024x128xf32>
    tpu.vector_store %arg9[%swap3A, %swap3A_53], %add3A_14 {strides = array<i32>} : memref<1024x128xf32, #tpu.memory_space<vmem>>, vector<1024x128xf32>,
    %swap3A_55 = arith.constant 0 : index
    %swap3A_56 = arith.constant 0 : index
    %swap3A_57 = vector.load %arg10[%swap3A_55, %swap3A_56] : memref<1024x128xf32, #tpu.memory_space<vmem>>, vector<1024x128xf32>
    tpu.vector_store %arg10[%swap3A_55, %swap3A_56], %add3A_40 {strides = array<i32>} : memref<1024x128xf32, #tpu.memory_space<vmem>>, vector<1024x128xf32>,
    %reduce_sum3A = arith.constant dense<0.000000e+00> : vector<128xf32>
    %reduce_sum3A_58 = vector.multi_reduction <add>, %select_n3A_47, %reduce_sum3A [0] : vector<1024x128xf32> to vector<128xf32>
    %broadcast_in_dim3A_59 = vector.shape_cast %reduce_sum3A_58 : vector<128xf32> to vector<1x128xf32>
    %reduce_sum3A_60 = arith.constant dense<0.000000e+00> : vector<128xf32>
    %reduce_sum3A_61 = vector.multi_reduction <add>, %select_n3A_52, %reduce_sum3A_60 [0] : vector<1024x128xf32> to vector<128xf32>
    %broadcast_in_dim3A_62 = vector.shape_cast %reduce_sum3A_61 : vector<128xf32> to vector<1x128xf32>
    %mul3A_63 = arith.mulf %select_n3A, %select_n3A : vector<1024x128xf32>
    %reduce_sum3A_64 = vector.shape_cast %mul3A_63 : vector<1024x128xf32> to vector<1x1024x128xf32>
    %reduce_sum3A_65 = arith.constant dense<0.000000e+00> : vector<1xf32>
    %reduce_sum3A_66 = vector.multi_reduction <add>, %reduce_sum3A_64, %reduce_sum3A_65 [1, 2] : vector<1x1024x128xf32> to vector<1xf32>
    %reduce_sum3A_67 = vector.shape_cast %reduce_sum3A_66 : vector<1xf32> to vector<1x1x1xf32>
    %reduce_sum3A_68 = vector.extract %reduce_sum3A_67[0, 0, 0] : f32 from vector<1x1x1xf32>
    %broadcast_in_dim3A_69 = vector.broadcast %reduce_sum3A_68 : f32 to vector<1x128xf32>
    %mul3A_70 = arith.mulf %select_n3A_47, %select_n3A_47 : vector<1024x128xf32>
    %reduce_sum3A_71 = vector.shape_cast %mul3A_70 : vector<1024x128xf32> to vector<1x1024x128xf32>
    %reduce_sum3A_72 = arith.constant dense<0.000000e+00> : vector<1xf32>
    %reduce_sum3A_73 = vector.multi_reduction <add>, %reduce_sum3A_71, %reduce_sum3A_72 [1, 2] : vector<1x1024x128xf32> to vector<1xf32>
    %reduce_sum3A_74 = vector.shape_cast %reduce_sum3A_73 : vector<1xf32> to vector<1x1x1xf32>
    %reduce_sum3A_75 = vector.extract %reduce_sum3A_74[0, 0, 0] : f32 from vector<1x1x1xf32>
    %broadcast_in_dim3A_76 = vector.broadcast %reduce_sum3A_75 : f32 to vector<1x128xf32>
    %broadcast_in_dim3A_77 = arith.constant 0.000000e+00 : f32
    %broadcast_in_dim3A_78 = vector.broadcast %broadcast_in_dim3A_77 : f32 to vector<4x128xf32>
    %concatenate3A = tpu.concatenate %broadcast_in_dim3A_59, %broadcast_in_dim3A_62, %broadcast_in_dim3A_69, %broadcast_in_dim3A_76, %broadcast_in_dim3A_78 in 0 : vector<1x128xf32>, vector<1x128xf32>, vector<1x128xf32>, vector<1x128xf32>, vector<4x128xf32> -> vector<8x128xf32>
    %eq3A = arith.constant 0 : i32
    %eq3A_79 = arith.cmpi eq, %arg0, %eq3A : i32
    %convert_element_type3A = arith.extui %eq3A_79 : i1 to i32
    %cond3A = arith.constant 0 : i32
    %cond3A_80 = arith.cmpi ne, %convert_element_type3A, %cond3A : i32
    scf.if %cond3A_80 {
      %broadcast_in_dim3A_102 = arith.constant 0.000000e+00 : f32
      %broadcast_in_dim3A_103 = vector.broadcast %broadcast_in_dim3A_102 : f32 to vector<128x128xf32>
      %swap3A_104 = arith.constant 0 : index
      %swap3A_105 = arith.constant 0 : index
      %swap3A_106 = vector.load %arg13[%swap3A_104, %swap3A_105] : memref<128x128xf32, #tpu.memory_space<vmem>>, vector<128x128xf32>
      tpu.vector_store %arg13[%swap3A_104, %swap3A_105], %broadcast_in_dim3A_103 {strides = array<i32>} : memref<128x128xf32, #tpu.memory_space<vmem>>, vector<128x128xf32>,
      %broadcast_in_dim3A_107 = arith.constant 0.000000e+00 : f32
      %broadcast_in_dim3A_108 = vector.broadcast %broadcast_in_dim3A_107 : f32 to vector<8x128xf32>
      %swap3A_109 = arith.constant 0 : index
      %swap3A_110 = arith.constant 0 : index
      %swap3A_111 = vector.load %arg14[%swap3A_109, %swap3A_110] : memref<8x128xf32, #tpu.memory_space<vmem>>, vector<8x128xf32>
      tpu.vector_store %arg14[%swap3A_109, %swap3A_110], %broadcast_in_dim3A_108 {strides = array<i32>} : memref<8x128xf32, #tpu.memory_space<vmem>>, vector<8x128xf32>,
    } else {
    }
    %get3A_81 = arith.constant 0 : index
    %get3A_82 = arith.constant 0 : index
    %get3A_83 = vector.load %arg13[%get3A_81, %get3A_82] : memref<128x128xf32, #tpu.memory_space<vmem>>, vector<128x128xf32>
    %dot_general3A_84 = arith.constant dense<0.000000e+00> : vector<128x128xf32>
    %dot_general3A_85 = tpu.matmul %select_n3A_47, %select_n3A_52, %dot_general3A_84 {dimension_numbers = #tpu.dot_dimension_numbers<[0], [0], [1], [1], [0, 1, 1, 1], [], []>, transpose_lhs_hint = false} : vector<1024x128xf32>, vector<1024x128xf32>, vector<128x128xf32> -> vector<128x128xf32>
    %add3A_86 = arith.addf %get3A_83, %dot_general3A_85 : vector<128x128xf32>
    %swap3A_87 = arith.constant 0 : index
    %swap3A_88 = arith.constant 0 : index
    %swap3A_89 = vector.load %arg13[%swap3A_87, %swap3A_88] : memref<128x128xf32, #tpu.memory_space<vmem>>, vector<128x128xf32>
    tpu.vector_store %arg13[%swap3A_87, %swap3A_88], %add3A_86 {strides = array<i32>} : memref<128x128xf32, #tpu.memory_space<vmem>>, vector<128x128xf32>,
    %get3A_90 = arith.constant 0 : index
    %get3A_91 = arith.constant 0 : index
    %get3A_92 = vector.load %arg14[%get3A_90, %get3A_91] : memref<8x128xf32, #tpu.memory_space<vmem>>, vector<8x128xf32>
    %add3A_93 = arith.addf %get3A_92, %concatenate3A : vector<8x128xf32>
    %swap3A_94 = arith.constant 0 : index
    %swap3A_95 = arith.constant 0 : index
    %swap3A_96 = vector.load %arg14[%swap3A_94, %swap3A_95] : memref<8x128xf32, #tpu.memory_space<vmem>>, vector<8x128xf32>
    tpu.vector_store %arg14[%swap3A_94, %swap3A_95], %add3A_93 {strides = array<i32>} : memref<8x128xf32, #tpu.memory_space<vmem>>, vector<8x128xf32>,
    %eq3A_97 = arith.constant 9 : i32
    %eq3A_98 = arith.cmpi eq, %arg0, %eq3A_97 : i32
    %convert_element_type3A_99 = arith.extui %eq3A_98 : i1 to i32
    %cond3A_100 = arith.constant 0 : i32
    %cond3A_101 = arith.cmpi ne, %convert_element_type3A_99, %cond3A_100 : i32
    scf.if %cond3A_101 {
      %get3A_102 = arith.constant 0 : index
      %get3A_103 = arith.constant 0 : index
      %get3A_104 = vector.load %arg13[%get3A_102, %get3A_103] : memref<128x128xf32, #tpu.memory_space<vmem>>, vector<128x128xf32>
      %swap3A_105 = arith.constant 0 : index
      %swap3A_106 = arith.constant 0 : index
      %swap3A_107 = vector.load %arg11[%swap3A_105, %swap3A_106] : memref<128x128xf32, #tpu.memory_space<vmem>>, vector<128x128xf32>
      tpu.vector_store %arg11[%swap3A_105, %swap3A_106], %get3A_104 {strides = array<i32>} : memref<128x128xf32, #tpu.memory_space<vmem>>, vector<128x128xf32>,
      %get3A_108 = arith.constant 0 : index
      %get3A_109 = arith.constant 0 : index
      %get3A_110 = vector.load %arg14[%get3A_108, %get3A_109] : memref<8x128xf32, #tpu.memory_space<vmem>>, vector<8x128xf32>
      %swap3A_111 = arith.constant 0 : index
      %swap3A_112 = arith.constant 0 : index
      %swap3A_113 = vector.load %arg12[%swap3A_111, %swap3A_112] : memref<8x128xf32, #tpu.memory_space<vmem>>, vector<8x128xf32>
      tpu.vector_store %arg12[%swap3A_111, %swap3A_112], %get3A_110 {strides = array<i32>} : memref<8x128xf32, #tpu.memory_space<vmem>>, vector<8x128xf32>,
    } else {
    }
    return
  }
  func.func @transform_0(%arg0: i32) -> (i32, i32) {
    %c0_i32 = arith.constant 0 : i32
    %c0_i32_0 = arith.constant 0 : i32
    return %arg0, %c0_i32 : i32, i32
  }
  func.func @transform_1(%arg0: i32) -> (i32, i32) {
    %c0_i32 = arith.constant 0 : i32
    %c0_i32_0 = arith.constant 0 : i32
    return %arg0, %c0_i32 : i32, i32
  }
  func.func @transform_2(%arg0: i32) -> (i32, i32) {
    %c0_i32 = arith.constant 0 : i32
    %c0_i32_0 = arith.constant 0 : i32
    %c0_i32_1 = arith.constant 0 : i32
    return %c0_i32, %c0_i32_0 : i32, i32
  }
  func.func @transform_3(%arg0: i32) -> (i32, i32) {
    %c0_i32 = arith.constant 0 : i32
    %c0_i32_0 = arith.constant 0 : i32
    %c0_i32_1 = arith.constant 0 : i32
    return %c0_i32, %c0_i32_0 : i32, i32
  }
  func.func @transform_4(%arg0: i32) -> (i32, i32) {
    %c0_i32 = arith.constant 0 : i32
    %c0_i32_0 = arith.constant 0 : i32
    %c0_i32_1 = arith.constant 0 : i32
    return %c0_i32, %c0_i32_0 : i32, i32
  }
  func.func @transform_5(%arg0: i32) -> (i32, i32) {
    %c0_i32 = arith.constant 0 : i32
    %c0_i32_0 = arith.constant 0 : i32
    %c0_i32_1 = arith.constant 0 : i32
    return %c0_i32, %c0_i32_0 : i32, i32
  }
  func.func @transform_6(%arg0: i32) -> (i32, i32) {
    %c0_i32 = arith.constant 0 : i32
    %c0_i32_0 = arith.constant 0 : i32
    %c0_i32_1 = arith.constant 0 : i32
    return %c0_i32, %c0_i32_0 : i32, i32
  }
  func.func @transform_7(%arg0: i32) -> (i32, i32) {
    %c0_i32 = arith.constant 0 : i32
    %c0_i32_0 = arith.constant 0 : i32
    %c0_i32_1 = arith.constant 0 : i32
    return %c0_i32, %c0_i32_0 : i32, i32
  }
  func.func @transform_8(%arg0: i32) -> (i32, i32) {
    %c0_i32 = arith.constant 0 : i32
    %c0_i32_0 = arith.constant 0 : i32
    return %arg0, %c0_i32 : i32, i32
  }
  func.func @transform_9(%arg0: i32) -> (i32, i32) {
    %c0_i32 = arith.constant 0 : i32
    %c0_i32_0 = arith.constant 0 : i32
    return %arg0, %c0_i32 : i32, i32
  }
  func.func @transform_10(%arg0: i32) -> (i32, i32) {
    %c0_i32 = arith.constant 0 : i32
    %c0_i32_0 = arith.constant 0 : i32
    %c0_i32_1 = arith.constant 0 : i32
    return %c0_i32, %c0_i32_0 : i32, i32
  }
  func.func @transform_11(%arg0: i32) -> (i32, i32) {
    %c0_i32 = arith.constant 0 : i32
    %c0_i32_0 = arith.constant 0 : i32
    %c0_i32_1 = arith.constant 0 : i32
    return %c0_i32, %c0_i32_0 : i32, i32
  }
}

module attributes {stable_mosaic.version = 14 : i64} {
  func.func @_tc_scale_body(%arg0: i32, %arg1: memref<1024x128xf32, #tpu.memory_space<vmem>>, %arg2: memref<2x1024xf32, #tpu.memory_space<vmem>>, %arg3: memref<1024x128xf32, #tpu.memory_space<vmem>>) attributes {dimension_semantics = [#tpu.dimension_semantics<arbitrary>], iteration_bounds = array<i64: 10>, scalar_prefetch = 0 : i64, scratch_operands = 0 : i64, tpu.core_type = #tpu.core_type<tc>, window_params = [{transform_indices = @transform_0, window_bounds = array<i64: 1024, 128>}, {transform_indices = @transform_1, window_bounds = array<i64: 2, 1024>}, {transform_indices = @transform_2, window_bounds = array<i64: 1024, 128>}]} {
    %get3A = arith.constant 0 : index
    %get3A_0 = arith.constant 0 : index
    %get3A_1 = vector.load %arg2[%get3A, %get3A_0] : memref<2x1024xf32, #tpu.memory_space<vmem>>, vector<1x1024xf32>
    %get3A_2 = vector.shape_cast %get3A_1 : vector<1x1024xf32> to vector<1024xf32>
    %get3A_3 = arith.constant 1 : index
    %get3A_4 = arith.constant 0 : index
    %get3A_5 = vector.load %arg2[%get3A_3, %get3A_4] : memref<2x1024xf32, #tpu.memory_space<vmem>>, vector<1x1024xf32>
    %get3A_6 = vector.shape_cast %get3A_5 : vector<1x1024xf32> to vector<1024xf32>
    %add3A = arith.addf %get3A_2, %get3A_6 : vector<1024xf32>
    %gt3A = arith.constant 0.000000e+00 : f32
    %gt3A_7 = vector.broadcast %gt3A : f32 to vector<1024xf32>
    %gt3A_8 = arith.cmpf ogt, %add3A, %gt3A_7 : vector<1024xf32>
    %rsqrt3A = math.rsqrt %add3A : vector<1024xf32>
    %jit3A = arith.constant 0.000000e+00 : f32
    %broadcast_in_dim3A = vector.broadcast %jit3A : f32 to vector<1024xf32>
    %select_n3A = arith.select %gt3A_8, %rsqrt3A, %broadcast_in_dim3A : vector<1024xi1>, vector<1024xf32>
    %broadcast_in_dim3A_9 = vector.shape_cast %select_n3A : vector<1024xf32> to vector<1024x1xf32>
    %get3A_10 = arith.constant 0 : index
    %get3A_11 = arith.constant 0 : index
    %get3A_12 = vector.load %arg1[%get3A_10, %get3A_11] : memref<1024x128xf32, #tpu.memory_space<vmem>>, vector<1024x128xf32>
    %mul3A = vector.broadcast %broadcast_in_dim3A_9 : vector<1024x1xf32> to vector<1024x128xf32>
    %mul3A_13 = arith.mulf %get3A_12, %mul3A : vector<1024x128xf32>
    %swap3A = arith.constant 0 : index
    %swap3A_14 = arith.constant 0 : index
    %swap3A_15 = vector.load %arg3[%swap3A, %swap3A_14] : memref<1024x128xf32, #tpu.memory_space<vmem>>, vector<1024x128xf32>
    tpu.vector_store %arg3[%swap3A, %swap3A_14], %mul3A_13 {strides = array<i32>} : memref<1024x128xf32, #tpu.memory_space<vmem>>, vector<1024x128xf32>,
    return
  }
  func.func @transform_0(%arg0: i32) -> (i32, i32) {
    %c0_i32 = arith.constant 0 : i32
    %c0_i32_0 = arith.constant 0 : i32
    return %arg0, %c0_i32 : i32, i32
  }
  func.func @transform_1(%arg0: i32) -> (i32, i32) {
    %c0_i32 = arith.constant 0 : i32
    %c0_i32_0 = arith.constant 0 : i32
    return %c0_i32, %arg0 : i32, i32
  }
  func.func @transform_2(%arg0: i32) -> (i32, i32) {
    %c0_i32 = arith.constant 0 : i32
    %c0_i32_0 = arith.constant 0 : i32
    return %arg0, %c0_i32 : i32, i32
  }
}

module attributes {stable_mosaic.version = 14 : i64} {
  func.func @_tc_attn_body(%arg0: i32, %arg1: memref<1024x128xf32, #tpu.memory_space<vmem>>, %arg2: memref<128x128xf32, #tpu.memory_space<vmem>>, %arg3: memref<8x128xf32, #tpu.memory_space<vmem>>, %arg4: memref<1024x128xf32, #tpu.memory_space<vmem>>) attributes {dimension_semantics = [#tpu.dimension_semantics<arbitrary>], iteration_bounds = array<i64: 10>, scalar_prefetch = 0 : i64, scratch_operands = 0 : i64, tpu.core_type = #tpu.core_type<tc>, window_params = [{transform_indices = @transform_0, window_bounds = array<i64: 1024, 128>}, {pipeline_mode = #tpu.pipeline_mode<synchronous>, transform_indices = @transform_1, window_bounds = array<i64: 128, 128>}, {pipeline_mode = #tpu.pipeline_mode<synchronous>, transform_indices = @transform_2, window_bounds = array<i64: 8, 128>}, {transform_indices = @transform_3, window_bounds = array<i64: 1024, 128>}]} {
    %get3A = arith.constant 0 : index
    %get3A_0 = arith.constant 0 : index
    %get3A_1 = vector.load %arg1[%get3A, %get3A_0] : memref<1024x128xf32, #tpu.memory_space<vmem>>, vector<1024x128xf32>
    %get3A_2 = arith.constant 0 : index
    %get3A_3 = arith.constant 0 : index
    %get3A_4 = vector.load %arg3[%get3A_2, %get3A_3] : memref<8x128xf32, #tpu.memory_space<vmem>>, vector<1x128xf32>
    %get3A_5 = vector.shape_cast %get3A_4 : vector<1x128xf32> to vector<128xf32>
    %get3A_6 = arith.constant 1 : index
    %get3A_7 = arith.constant 0 : index
    %get3A_8 = vector.load %arg3[%get3A_6, %get3A_7] : memref<8x128xf32, #tpu.memory_space<vmem>>, vector<1x128xf32>
    %get3A_9 = vector.shape_cast %get3A_8 : vector<1x128xf32> to vector<128xf32>
    %get3A_10 = arith.constant 2 : index
    %get3A_11 = arith.constant 0 : index
    %get3A_12 = vector.load %arg3[%get3A_10, %get3A_11] : memref<8x128xf32, #tpu.memory_space<vmem>>, vector<1x1xf32>
    %get3A_13 = vector.extract %get3A_12[0, 0] : f32 from vector<1x1xf32>
    %get3A_14 = arith.constant 3 : index
    %get3A_15 = arith.constant 0 : index
    %get3A_16 = vector.load %arg3[%get3A_14, %get3A_15] : memref<8x128xf32, #tpu.memory_space<vmem>>, vector<1x1xf32>
    %get3A_17 = vector.extract %get3A_16[0, 0] : f32 from vector<1x1xf32>
    %rsqrt3A = math.rsqrt %get3A_13 : f32
    %rsqrt3A_18 = math.rsqrt %get3A_17 : f32
    %mul3A = arith.mulf %rsqrt3A, %rsqrt3A_18 : f32
    %get3A_19 = arith.constant 0 : index
    %get3A_20 = arith.constant 0 : index
    %get3A_21 = vector.load %arg2[%get3A_19, %get3A_20] : memref<128x128xf32, #tpu.memory_space<vmem>>, vector<128x128xf32>
    %dot_general3A = arith.constant dense<0.000000e+00> : vector<1024x128xf32>
    %dot_general3A_22 = tpu.matmul %get3A_1, %get3A_21, %dot_general3A {dimension_numbers = #tpu.dot_dimension_numbers<[1], [0], [0], [1], [0, 0, 1, 1], [], []>, transpose_lhs_hint = false} : vector<1024x128xf32>, vector<128x128xf32>, vector<1024x128xf32> -> vector<1024x128xf32>
    %mul3A_23 = vector.broadcast %mul3A : f32 to vector<1024x128xf32>
    %mul3A_24 = arith.mulf %dot_general3A_22, %mul3A_23 : vector<1024x128xf32>
    %broadcast_in_dim3A = vector.shape_cast %get3A_9 : vector<128xf32> to vector<1x128xf32>
    %add3A = vector.broadcast %broadcast_in_dim3A : vector<1x128xf32> to vector<1024x128xf32>
    %add3A_25 = arith.addf %mul3A_24, %add3A : vector<1024x128xf32>
    %broadcast_in_dim3A_26 = vector.shape_cast %get3A_5 : vector<128xf32> to vector<128x1xf32>
    %dot_general3A_27 = arith.constant dense<0.000000e+00> : vector<1024x1xf32>
    %dot_general3A_28 = tpu.matmul %get3A_1, %broadcast_in_dim3A_26, %dot_general3A_27 {dimension_numbers = #tpu.dot_dimension_numbers<[1], [0], [0], [1], [0, 0, 1, 1], [], []>, transpose_lhs_hint = false} : vector<1024x128xf32>, vector<128x1xf32>, vector<1024x1xf32> -> vector<1024x1xf32>
    %mul3A_29 = vector.broadcast %mul3A : f32 to vector<1024x1xf32>
    %mul3A_30 = arith.mulf %dot_general3A_28, %mul3A_29 : vector<1024x1xf32>
    %add3A_31 = arith.constant 1.000000e+04 : f32
    %add3A_32 = vector.broadcast %add3A_31 : f32 to vector<1024x1xf32>
    %add3A_33 = arith.addf %mul3A_30, %add3A_32 : vector<1024x1xf32>
    %div3A = vector.broadcast %add3A_33 : vector<1024x1xf32> to vector<1024x128xf32>
    %div3A_34 = arith.divf %add3A_25, %div3A : vector<1024x128xf32>
    %swap3A = arith.constant 0 : index
    %swap3A_35 = arith.constant 0 : index
    %swap3A_36 = vector.load %arg4[%swap3A, %swap3A_35] : memref<1024x128xf32, #tpu.memory_space<vmem>>, vector<1024x128xf32>
    tpu.vector_store %arg4[%swap3A, %swap3A_35], %div3A_34 {strides = array<i32>} : memref<1024x128xf32, #tpu.memory_space<vmem>>, vector<1024x128xf32>,
    return
  }
  func.func @transform_0(%arg0: i32) -> (i32, i32) {
    %c0_i32 = arith.constant 0 : i32
    %c0_i32_0 = arith.constant 0 : i32
    return %arg0, %c0_i32 : i32, i32
  }
  func.func @transform_1(%arg0: i32) -> (i32, i32) {
    %c0_i32 = arith.constant 0 : i32
    %c0_i32_0 = arith.constant 0 : i32
    %c0_i32_1 = arith.constant 0 : i32
    return %c0_i32, %c0_i32_0 : i32, i32
  }
  func.func @transform_2(%arg0: i32) -> (i32, i32) {
    %c0_i32 = arith.constant 0 : i32
    %c0_i32_0 = arith.constant 0 : i32
    %c0_i32_1 = arith.constant 0 : i32
    return %c0_i32, %c0_i32_0 : i32, i32
  }
  func.func @transform_3(%arg0: i32) -> (i32, i32) {
    %c0_i32 = arith.constant 0 : i32
    %c0_i32_0 = arith.constant 0 : i32
    return %arg0, %c0_i32 : i32, i32
  }
}

module attributes {stable_mosaic.version = 14 : i64} {
  func.func @_tc_comb_body(%arg0: i32, %arg1: memref<1024x128xf32, #tpu.memory_space<vmem>>, %arg2: memref<2x1024xf32, #tpu.memory_space<vmem>>, %arg3: memref<1024x128xf32, #tpu.memory_space<vmem>>, %arg4: memref<1024x128xf32, #tpu.memory_space<vmem>>, %arg5: memref<1024x128xf32, #tpu.memory_space<vmem>>) attributes {dimension_semantics = [#tpu.dimension_semantics<arbitrary>], iteration_bounds = array<i64: 10>, scalar_prefetch = 0 : i64, scratch_operands = 0 : i64, tpu.core_type = #tpu.core_type<tc>, window_params = [{transform_indices = @transform_0, window_bounds = array<i64: 1024, 128>}, {transform_indices = @transform_1, window_bounds = array<i64: 2, 1024>}, {transform_indices = @transform_2, window_bounds = array<i64: 1024, 128>}, {transform_indices = @transform_3, window_bounds = array<i64: 1024, 128>}, {transform_indices = @transform_4, window_bounds = array<i64: 1024, 128>}]} {
    %get3A = arith.constant 0 : index
    %get3A_0 = arith.constant 0 : index
    %get3A_1 = vector.load %arg2[%get3A, %get3A_0] : memref<2x1024xf32, #tpu.memory_space<vmem>>, vector<1x1024xf32>
    %get3A_2 = vector.shape_cast %get3A_1 : vector<1x1024xf32> to vector<1024xf32>
    %get3A_3 = arith.constant 1 : index
    %get3A_4 = arith.constant 0 : index
    %get3A_5 = vector.load %arg2[%get3A_3, %get3A_4] : memref<2x1024xf32, #tpu.memory_space<vmem>>, vector<1x1024xf32>
    %get3A_6 = vector.shape_cast %get3A_5 : vector<1x1024xf32> to vector<1024xf32>
    %add3A = arith.addf %get3A_2, %get3A_6 : vector<1024xf32>
    %gt3A = arith.constant 0.000000e+00 : f32
    %gt3A_7 = vector.broadcast %gt3A : f32 to vector<1024xf32>
    %gt3A_8 = arith.cmpf ogt, %add3A, %gt3A_7 : vector<1024xf32>
    %rsqrt3A = math.rsqrt %add3A : vector<1024xf32>
    %jit3A = arith.constant 0.000000e+00 : f32
    %broadcast_in_dim3A = vector.broadcast %jit3A : f32 to vector<1024xf32>
    %select_n3A = arith.select %gt3A_8, %rsqrt3A, %broadcast_in_dim3A : vector<1024xi1>, vector<1024xf32>
    %broadcast_in_dim3A_9 = vector.shape_cast %select_n3A : vector<1024xf32> to vector<1024x1xf32>
    %get3A_10 = arith.constant 0 : index
    %get3A_11 = arith.constant 0 : index
    %get3A_12 = vector.load %arg1[%get3A_10, %get3A_11] : memref<1024x128xf32, #tpu.memory_space<vmem>>, vector<1024x128xf32>
    %get3A_13 = arith.constant 0 : index
    %get3A_14 = arith.constant 0 : index
    %get3A_15 = vector.load %arg3[%get3A_13, %get3A_14] : memref<1024x128xf32, #tpu.memory_space<vmem>>, vector<1024x128xf32>
    %get3A_16 = arith.constant 0 : index
    %get3A_17 = arith.constant 0 : index
    %get3A_18 = vector.load %arg4[%get3A_16, %get3A_17] : memref<1024x128xf32, #tpu.memory_space<vmem>>, vector<1024x128xf32>
    %add3A_19 = arith.addf %get3A_15, %get3A_18 : vector<1024x128xf32>
    %mul3A = vector.broadcast %broadcast_in_dim3A_9 : vector<1024x1xf32> to vector<1024x128xf32>
    %mul3A_20 = arith.mulf %mul3A, %add3A_19 : vector<1024x128xf32>
    %add3A_21 = arith.addf %get3A_12, %mul3A_20 : vector<1024x128xf32>
    %swap3A = arith.constant 0 : index
    %swap3A_22 = arith.constant 0 : index
    %swap3A_23 = vector.load %arg5[%swap3A, %swap3A_22] : memref<1024x128xf32, #tpu.memory_space<vmem>>, vector<1024x128xf32>
    tpu.vector_store %arg5[%swap3A, %swap3A_22], %add3A_21 {strides = array<i32>} : memref<1024x128xf32, #tpu.memory_space<vmem>>, vector<1024x128xf32>,
    return
  }
  func.func @transform_0(%arg0: i32) -> (i32, i32) {
    %c0_i32 = arith.constant 0 : i32
    %c0_i32_0 = arith.constant 0 : i32
    return %arg0, %c0_i32 : i32, i32
  }
  func.func @transform_1(%arg0: i32) -> (i32, i32) {
    %c0_i32 = arith.constant 0 : i32
    %c0_i32_0 = arith.constant 0 : i32
    return %c0_i32, %arg0 : i32, i32
  }
  func.func @transform_2(%arg0: i32) -> (i32, i32) {
    %c0_i32 = arith.constant 0 : i32
    %c0_i32_0 = arith.constant 0 : i32
    return %arg0, %c0_i32 : i32, i32
  }
  func.func @transform_3(%arg0: i32) -> (i32, i32) {
    %add3A = arith.constant 10 : i32
    %add3A_0 = arith.addi %arg0, %add3A : i32
    %c0_i32 = arith.constant 0 : i32
    %c0_i32_1 = arith.constant 0 : i32
    return %add3A_0, %c0_i32 : i32, i32
  }
  func.func @transform_4(%arg0: i32) -> (i32, i32) {
    %c0_i32 = arith.constant 0 : i32
    %c0_i32_0 = arith.constant 0 : i32
    return %arg0, %c0_i32 : i32, i32
  }
}

</mosaic_0001>

<sc_bundles>
// kernel: kernel.11.cloned.1.call-start
scs
__scs_entry_jumppad:
0x0: {  	(pc) =	sbr.rel $0x88, $3  }
0x1: {  	(tag) =	ssettag $0x0;
	lr =	simm.s32 $0x1  }
0x2: {  	[smem:$0x3F98] =	sst lr;
	_ =	strace $0xD0000000  }
0x3: {  	_ = 	snop  }
0x4: {  	_ = 	snop  }
0x5: {  	_ = 	snop  }
0x6: {  	_ = 	snop  }
0x7: {  	_ = 	snop  }
__scs_overlays_trampoline_lowered:
0x8: {  	[smem:$0x3FA7] =	sst s0  }
0x9: {  	[smem:$0x3FA8] =	sst s1  }
0xa: {  	[smem:$0x3FA9] =	sst s2  }
0xb: {  	[smem:$0x3FAA] =	sst s3  }
0xc: {  	[smem:$0x3FAB] =	sst s4  }
0xd: {  	[smem:$0x3FAC] =	sst s5  }
0xe: {  	[smem:$0x3FAD] =	sst s6  }
0xf: {  	[smem:$0x3FAE] =	sst s7  }
0x10: {  	[smem:$0x3FAF] =	sst s8  }
0x11: {  	[smem:$0x3FB0] =	sst s9;
	s0 =	simm.s32 @!p0 $0x0  }
0x12: {  	s1 =	sld [smem:$0x3F96];
	s0 =	simm.s32 @p0 $0x1  }
0x13: {  	[smem:$0x3FB1] =	sst s0;
	s0 =	simm.s32 @!p1 $0x0  }
0x14: {  	s2 =	sld [smem:$0x3F95];
	s0 =	simm.s32 @p1 $0x1  }
0x15: {  	[smem:$0x3FB2] =	sst s0;
	s0 =	simm.s32 @!p2 $0x0  }
0x16: {  	s3 =	sld [smem:$0x3FDB];
	s0 =	simm.s32 @p2 $0x1  }
0x17: {  	s4 =	simm.s32 $0x1BF5;
	[smem:$0x3FB4] =	sst s0  }
0x18: {  	s0 =	sld [smem:$0x3F97];
	_ =	swait.ge [sflag:s4], $0x0  }
0x19: {  	s7 =	sld [smem:$0x3F98]  }
0x1a: {  	s8 =	sadd.s32 $0xFFFFE003, lr  }
0x1b: {  	s9 =	sadd.s32 $0xFFFFFEF7, lr;
	s5 =	simm.s32 $0xFFFFFFFF;
	p2 =	slt.u32 s8, $0xFFFFF086  }
0x1c: {  	p1 =	slt.u32 s9, $0xF7A;
	s5 =	simm.s32 @!p2 $0x0  }
0x1d: {  	s5 =	simm.s32 @p1 $0x1;
	p0 =	seq.s32 s7, s2  }
0x1e: {  	s7 =	smul.u32 @!p0 $0xF7A, s2;
	p2 =	seq.s32 @!p0 s5, $0x0  }
0x1f: {  	s9 =	smul.u32 $0xF7A, s1;
	s8 =	simm.s32 @!p0 $0x1BF5;
	p2 =	por !p2, p0  }
0x20: {  	[sflag:s8] =	ssyncset.s32 @!p0 $0xFFFFF086;
	s6 =	sadd.s32 @!p0 s3, s7;
	s7 =	simm.s32 @!p0 $0x108  }
0x21: {  	s3 =	sadd.s32 s3, s9;
	s6 =	sadd.s32 @!p0 $0x88, s6;
	s7 =	simm.s32 @p2 $0x1082  }
0x22: {  	[simem:s7], [sflag:s8] =	dma.local @!p0 [hbm:s6], $0xF7A  }
0x23: {  	s9 =	sor.u32 $0xD0000000, s2;
	s6 =	simm.s32 $0x108;
	_ =	swait.ge @!p0 [sflag:s8], $0x0  }
0x24: {  	s3 =	sadd.s32 $0x88, s3;
	s6 =	simm.s32 @!p1 $0x1082;
	[sflag:s4] =	ssyncset.s32 $0xFFFFF086  }
0x25: {  	[simem:s6], [sflag:s4] =	dma.local [hbm:s3], $0xF7A  }
0x26: {  	[smem:$0x3F98] =	sst s1;
	(tag) =	ssettag s2;
	_ =	strace s9  }
0x27: {  	s1 =	sld [smem:$0x3FA8]  }
0x28: {  	s2 =	sld [smem:$0x3FA9]  }
0x29: {  	s4 =	sld [smem:$0x3FAB]  }
0x2a: {  	p0 =	seq.s32 s5, $0x0;
	s5 =	sld [smem:$0x3FAC]  }
0x2b: {  	s6 =	sld [smem:$0x3FAD]  }
0x2c: {  	s7 =	sld [smem:$0x3FAE]  }
0x2d: {  	s3 =	simm.s32 $0x108;
	s8 =	sld [smem:$0x3FAF]  }
0x2e: {  	s3 =	simm.s32 @!p0 $0x1082;
	s9 =	sld [smem:$0x3FB0]  }
0x2f: {  	lr =	sadd.s32 s0, s3;
	s0 =	sld [smem:$0x3FA7]  }
0x30: {  	s3 =	sld [smem:$0x3FAA]  }
0x31: {  	[smem:$0x3FB3] =	sst s10  }
0x32: {  	s10 =	sld [smem:$0x3FB1];
	_ =	sdelay $0x3  }
0x33: {  	p0 =	seq.s32 s10, $0x1;
	s10 =	sld [smem:$0x3FB3];
	_ =	sdelay $0x3  }
0x34: {  	[smem:$0x3FB3] =	sst s10  }
0x35: {  	s10 =	sld [smem:$0x3FB2];
	_ =	sdelay $0x3  }
0x36: {  	p1 =	seq.s32 s10, $0x1;
	s10 =	sld [smem:$0x3FB3];
	_ =	sdelay $0x3  }
0x37: {  	[smem:$0x3FB3] =	sst s10  }
0x38: {  	s10 =	sld [smem:$0x3FB4]  }
0x39: {  	_ = 	snop;
	(pc) =	sbr.ind lr, $3  }
0x3a: {  	_ = 	snop  }
0x3b: {  	_ = 	snop  }
0x3c: {  	p2 =	seq.s32 s10, $0x1;
	s10 =	sld [smem:$0x3FB3]  }
0x3d: {  	_ =	shalt  }
0x3e: {  	_ =	shalt  }
0x3f: {  	_ =	shalt  }
0x40: {  	_ =	shalt  }
0x41: {  	_ =	shalt  }
0x42: {  	_ =	shalt  }
0x43: {  	_ =	shalt  }
0x44: {  	_ =	shalt  }
0x45: {  	_ =	shalt  }
0x46: {  	_ =	shalt  }
0x47: {  	_ =	shalt  }
0x48: {  	_ =	shalt  }
0x49: {  	_ =	shalt  }
0x4a: {  	_ =	shalt  }
0x4b: {  	_ =	shalt  }
0x4c: {  	_ =	shalt  }
0x4d: {  	_ =	shalt  }
0x4e: {  	_ =	shalt  }
0x4f: {  	_ =	shalt  }
0x50: {  	_ =	shalt  }
0x51: {  	_ =	shalt  }
0x52: {  	_ =	shalt  }
0x53: {  	_ =	shalt  }
0x54: {  	_ =	shalt  }
0x55: {  	_ =	shalt  }
0x56: {  	_ =	shalt  }
0x57: {  	_ =	shalt  }
0x58: {  	_ =	shalt  }
0x59: {  	_ =	shalt  }
0x5a: {  	_ =	shalt  }
0x5b: {  	_ =	shalt  }
0x5c: {  	_ =	shalt  }
0x5d: {  	_ =	shalt  }
0x5e: {  	_ =	shalt  }
0x5f: {  	_ =	shalt  }
0x60: {  	_ =	shalt  }
0x61: {  	_ =	shalt  }
0x62: {  	_ =	shalt  }
0x63: {  	_ =	shalt  }
0x64: {  	_ =	shalt  }
0x65: {  	_ =	shalt  }
0x66: {  	_ =	shalt  }
0x67: {  	_ =	shalt  }
0x68: {  	_ =	shalt  }
0x69: {  	_ =	shalt  }
0x6a: {  	_ =	shalt  }
0x6b: {  	_ =	shalt  }
0x6c: {  	_ =	shalt  }
0x6d: {  	_ =	shalt  }
0x6e: {  	_ =	shalt  }
0x6f: {  	_ =	shalt  }
0x70: {  	_ =	shalt  }
0x71: {  	_ =	shalt  }
0x72: {  	_ =	shalt  }
0x73: {  	_ =	shalt  }
0x74: {  	_ =	shalt  }
0x75: {  	_ =	shalt  }
0x76: {  	_ =	shalt  }
0x77: {  	_ =	shalt  }
0x78: {  	_ =	shalt  }
0x79: {  	_ =	shalt  }
0x7a: {  	_ =	shalt  }
0x7b: {  	_ =	shalt  }
0x7c: {  	_ =	shalt  }
0x7d: {  	_ =	shalt  }
0x7e: {  	_ =	shalt  }
0x7f: {  	_ =	shalt  }
0x80: {  	_ =	shalt  }
0x81: {  	_ =	shalt  }
0x82: {  	_ =	shalt  }
0x83: {  	_ =	shalt  }
0x84: {  	_ =	shalt  }
0x85: {  	_ =	shalt  }
0x86: {  	_ =	shalt  }
0x87: {  	_ =	shalt  }
.Lfunc_end0:
.L_simem_size_0:
called_computation.1_lowered:
.L_overlay_start_0:
0x88: {  	s2 =	sld [smem:$0x3FD9]  }
0x89: {  	s3 =	sld [smem:$0x3FFE];
	_ =	sdelay $0x1  }
0x8a: {  	s1 =	srdreg.scid  }
0x8b: {  	s0 =	sand.u32 $0x1, s1  }
0x8c: {  	s17 =	sshll.u32 s0, $0xA;
	s2 =	sadd.s32 s3, s2  }
0x8d: {  	s2 =	sadd.s32 s2, s17  }
0x8e: {  	[smem:$0x3FBF] =	sst s2  }
0x8f: {  	_ = 	snop  }
0x90: {  	s2 =	sld [smem:$0x3FD0];
	(tm) =	ssettm $0x1  }
0x91: {  	s18 =	sld [smem:$0x3FFB];
	_ =	sdelay $0x3  }
0x92: {  	_ =	strace s18  }
0x93: {  	s3 =	sld [smem:$0x3FFC];
	_ =	sdelay $0x3  }
0x94: {  	_ =	strace s3  }
0x95: {  	s3 =	sld [smem:$0x3FFD];
	_ =	sdelay $0x3  }
0x96: {  	_ =	strace s3  }
0x97: {  	_ =	strace $0x8FFFFFFF  }
0x98: {  	s19 =	sld [smem:$0x3FDB];
	_ =	sdelay $0x1  }
0x99: {  	s4 =	simm.s32 $_scs_section_size  }
0x9a: {  	s5 =	simm.s32 $_size__tile_overlayer_lowered;
	s6 =	simm.s32 $_tile_overlayer_lowered  }
0x9b: {  	s22 =	simm.s32 $0x1BFF;
	s21 =	sshll.u32 s6, $0x1;
	s3 =	sadd.s32 s4, s19  }
0x9c: {  	s7 =	simm.s32 $0x0;
	s20 =	sshll.u32 s5, $0x1;
	s5 =	sadd.s32 s21, s3  }
0x9d: {  	[timem:s7], [sflag:s22] =	dma.local [hbm:s5], s20  }
0x9e: {  	_ =	swait.ge [sflag:s22], s20  }
0x9f: {  	s4 =	ssub.s32 $0x0, s20;
	[sflag:s22] =	ssyncset.done $0x0  }
0xa0: {  	[sflag:s22] =	ssyncadd.s32 s4;
	_ =	sdelay $0x1  }
0xa1: {  	s23 =	simm.s32 $0x1B8B  }
0xa2: {  	_ =	swait.ge [sflag:s23], $0x1  }
0xa3: {  	[sflag:s23] =	ssyncset.done $0x0  }
0xa4: {  	s25 =	simm.s32 $0x1B8E;
	s24 =	sld [smem:$0x3FFE];
	[sflag:s23] =	ssyncadd.s32 $0xFFFFFFFF  }
0xa5: {  	s26 =	simm.s32 $execute0_lowered;
	[smem:$0x3FD2] =	sst s25  }
0xa6: {  	s5 =	sshll.u32 s26, $0x1;
	_ =	strace $0x80000049;
	[dreg:$0x1] =	wrdreg $0xFFFFFFFF  }
0xa7: {  	s28 =	simm.s32 $_size_execute0_lowered;
	s3 =	sadd.s32 s3, s5;
	[dreg:$0x0] =	wrdreg $0x0  }
0xa8: {  	s5 =	sshll.u32 s28, $0x1;
	[dreg:$0x2] =	wrdreg s3  }
0xa9: {  	[dreg:$0x3] =	wrdreg s5  }
0xaa: {  	[dreg:$0x4] =	wrdreg $0xC0  }
0xab: {  	_ =	task [dreg:s7], $0x5FFFF  }
0xac: {  	[dreg:$0x1] =	wrdreg $0xFFFFFFFF  }
0xad: {  	[dreg:$0x0] =	wrdreg $0x60  }
0xae: {  	[dreg:$0x2] =	wrdreg s2  }
0xaf: {  	[dreg:$0x3] =	wrdreg s24  }
0xb0: {  	[dreg:$0x4] =	wrdreg $0x0  }
0xb1: {  	[dreg:$0x5] =	wrdreg $0x9  }
0xb2: {  	_ =	task.clear_ibuf [dreg:s7], $0x6FFFF;
	_ =	strace $0x90000049  }
0xb3: {  	s29 =	simm.s32 $0x9;
	_ =	strace $0x8000004B  }
0xb4: {  	_ =	swait.ge [sflag:s29], $0x1  }
0xb5: {  	[sflag:s29] =	ssyncadd.s32 $0xFFFFFFFF  }
0xb6: {  	_ =	strace $0x9000004B  }
0xb7: {  	_ =	sfence  }
0xb8: {  	s30 =	sld [smem:$0x0];
	_ =	sdelay $0x2  }
0xb9: {  	s31 =	sshll.u32 s1, $0xD;
	s1 =	sshrl.u32 s1, $0x2  }
0xba: {  	s3 =	sand.u32 $0x4000, s31;
	s1 =	sadd.s32 s1, s30  }
0xbb: {  	s0 =	sor.u32 s3, s0;
	s1 =	sshll.u32 s1, $0x11  }
0xbc: {  	s0 =	sor.u32 s1, s0  }
0xbd: {  	s0 =	sadd.s32 $0x8F2B, s0  }
0xbe: {  	[sflag:s0] =	ssyncadd.remote.s32 $0x1  }
0xbf: {  	_ =	sfence.sel $0xFFFF  }
0xc0: {  	[dreg:$0x0] =	wrdreg $0xFFFFFFFF;
	(pc) =	sbr.abs _section_cstart, $3  }
0xc1: {  	[dreg:$0x1] =	wrdreg $0xFFFFFFFF  }
0xc2: {  	_ =	task.clear_ibuf [dreg:s7], $0x2FFFF;
	_ =	strace $0x9FFFFFFF  }
0xc3: {  	(tm) =	ssettm $0x7FFFFFFF  }
tec
execute0_lowered:
.L_overlay_start_1:
0x0: {  	(tag) =	ssettag $0x1  }
0x1: {  	s0 =	rddreg [dreg:$0x0]  }
0x2: {  	s1 =	rddreg [dreg:$0x1];
	s2 =	srdreg.scid  }
0x3: {  	s3 =	rddreg [dreg:$0x2];
	s9 =	stileid.u32  }
0x4: {  	s4 =	simm.s32 $0x0;
	s14 =	simm.s32 $0x14880;
	s15 =	simm.s32 $0x14180  }
0x5: {  	s28 =	simm.s32 $0x14500;
	s29 =	simm.s32 $0x14C80;
	s6 =	smul.u32 $0x2800, s9  }
0x6: {  	s30 =	simm.s32 $0x14580;
	s31 =	simm.s32 $0x14D00;
	s7 =	smul.u32 $0x280, s9  }
0x7: {  	s2 =	sand.u32 $0x1, s2;
	[smem:$0x7FF] =	sst s4;
	s9 =	smul.u32 $0x50000, s9  }
0x8: {  	s5 =	smul.u32 $0x28000, s2;
	_ =	strace $0x8000004A;
	[dreg:$0x8] =	wrdreg s14  }
0x9: {  	s16 =	ssub.s32 $0x2, s2;
	s2 =	smul.u32 $0x2800, s2;
	[dreg:$0x9] =	wrdreg s15  }
0xa: {  	s14 =	simm.s32 $0x14780;
	s15 =	simm.s32 $0x14F00;
	s8 =	sshrl.u32 s16, $0x1  }
0xb: {  	s17 =	sadd.s32 $0x80, s7;
	s9 =	sshrl.u32 s9, $0x2;
	s11 =	sadd.s32 $0x100, s7  }
0xc: {  	s20 =	sadd.s32 $0x180, s7;
	s12 =	sadd.s32 $0x200, s7;
	s5 =	sadd.s32 s6, s5  }
0xd: {  	s6 =	ssub.s32 s16, s8;
	s10 =	sshll.u32 s17, $0x7;
	s9 =	sadd.s32 s9, s3  }
0xe: {  	s19 =	sshll.u32 s11, $0x7;
	s21 =	sshll.u32 s20, $0x7;
	s13 =	sshll.u32 s12, $0x7  }
0xf: {  	s7 =	sadd.s32 s7, s2;
	s8 =	sadd.s32 s2, s17;
	s23 =	sadd.s32 s2, s11  }
0x10: {  	s11 =	simm.s32 $0x14080;
	s16 =	simm.s32 $0x14900;
	s5 =	sshrl.u32 s5, $0x3  }
0x11: {  	[dreg:$0x14] =	wrdreg s9;
	s18 =	sadd.s32 s10, s3;
	s9 =	sadd.s32 s19, s3  }
0x12: {  	s22 =	sadd.s32 s13, s3;
	s7 =	sshll.u32 s7, $0x4;
	[dreg:$0x6] =	wrdreg s11  }
0x13: {  	s24 =	sshll.u32 s8, $0x4;
	s25 =	sshll.u32 s23, $0x4;
	[dreg:$0xa] =	wrdreg s16  }
0x14: {  	s13 =	simm.s32 $0x14100;
	s17 =	smax.u32 s6, $0x1;
	[dreg:$0x15] =	wrdreg s18  }
0x15: {  	s16 =	simm.s32 $0x15000;
	s19 =	simm.s32 $0x14980;
	[dreg:$0x16] =	wrdreg s9  }
0x16: {  	s23 =	simm.s32 $0x14A80;
	s11 =	simm.s32 $0x14E00;
	[dreg:$0x18] =	wrdreg s22  }
0x17: {  	s5 =	sadd.s32 s5, s1;
	s1 =	sadd.s32 $0x15E00, s1;
	[dreg:$0x7] =	wrdreg s13  }
0x18: {  	s9 =	sadd.s32 s21, s3;
	[dreg:$0x1e] =	wrdreg s17;
	s18 =	simm.s32 $0x14200  }
0x19: {  	s17 =	simm.s32 $0x3;
	[dreg:$0xc] =	wrdreg s19;
	s21 =	simm.s32 $0x14A00  }
0x1a: {  	s19 =	simm.s32 $0x14800;
	s22 =	simm.s32 $0x14300;
	[dreg:$0x10] =	wrdreg s23  }
0x1b: {  	s23 =	simm.s32 $0x2;
	s13 =	simm.s32 $0x14E80;
	[dreg:$0x17] =	wrdreg s9  }
0x1c: {  	s7 =	sadd.s32 s1, s7;
	s26 =	sadd.s32 s1, s25;
	[dreg:$0xb] =	wrdreg s18  }
0x1d: {  	s8 =	sadd.s32 $0x1E00, s5;
	s9 =	sadd.s32 s2, s20;
	[dreg:$0xe] =	wrdreg s21  }
0x1e: {  	s5 =	sadd.s32 $0xBE00, s5;
	s2 =	sadd.s32 s2, s12;
	[dreg:$0xf] =	wrdreg s22  }
0x1f: {  	s20 =	simm.s32 $0x14280;
	s18 =	simm.s32 $0x14000;
	[dreg:$0x19] =	wrdreg s7  }
0x20: {  	s21 =	simm.s32 $0x1;
	s22 =	simm.s32 $0x19000;
	[dreg:$0x1b] =	wrdreg s26  }
0x21: {  	s25 =	simm.s32 $0x14B00;
	s12 =	simm.s32 $0x14700;
	[dreg:$0x4] =	wrdreg s8  }
0x22: {  	s7 =	sadd.s32 s1, s24;
	s10 =	sshll.u32 s9, $0x4;
	[dreg:$0x5] =	wrdreg s5  }
0x23: {  	s2 =	sshll.u32 s2, $0x4;
	[dreg:$0xd] =	wrdreg s20;
	s20 =	simm.s32 $0x80  }
0x24: {  	s24 =	simm.s32 $0x14380;
	[dreg:$0x12] =	wrdreg s25;
	s26 =	simm.s32 $0x14400  }
0x25: {  	s25 =	simm.s32 $0x14480;
	s5 =	simm.s32 $0x14F80;
	[dreg:$0x1a] =	wrdreg s7  }
0x26: {  	s7 =	sadd.s32 s1, s10;
	s1 =	sadd.s32 s1, s2;
	[dreg:$0x11] =	wrdreg s24  }
0x27: {  	[dreg:$0x13] =	wrdreg s26;
	s24 =	simm.s32 $0x14B80;
	s26 =	simm.s32 $0x14C00  }
0x28: {  	s2 =	simm.s32 $0x14D80;
	s10 =	simm.s32 $0x14680;
	[dreg:$0x1c] =	wrdreg s7  }
0x29: {  	v0 =	vimm.f32 $0.0e+00;
	[dreg:$0x1d] =	wrdreg s1;
	s1 =	simm.s32 $0x14600;
	s7 =	simm.s32 $0x0  }
.LBB2_1:
0x2a: {  	[dreg:$0x1f] =	wrdreg s7;
	s7 =	simm.s32 $0x0;
	s8 =	simm.s32 $0x200  }
.LBB2_2:
0x2b: {  	p0 =	sne.s32 s8, $0xFE00;
	[tilespmem:s7+$0x15070] =	vst v0  }
0x2c: {  	[tilespmem:s7+$0x15000] =	vst v0  }
0x2d: {  	[tilespmem:s7+$0x15010] =	vst v0  }
.Ltmp0:
0x2e: {  	[tilespmem:s7+$0x15020] =	vst v0;
	(pc) =	sbr.rel @p0 .LBB2_2-.Ltmp0, $4  }
0x2f: {  	[tilespmem:s7+$0x15030] =	vst v0  }
0x30: {  	[tilespmem:s7+$0x15040] =	vst v0  }
0x31: {  	[tilespmem:s7+$0x15050] =	vst v0  }
0x32: {  	[tilespmem:s7+$0x15060] =	vst v0;
	s7 =	sshra.s32 s8, $0x2;
	s8 =	sadd.s32 $0x200, s8  }
0x33: {  	[tilespmem:s7+$0x15070] =	vst v0  }
0x34: {  	[tilespmem:s7+$0x15000] =	vst v0  }
0x35: {  	[tilespmem:s7+$0x15010] =	vst v0  }
0x36: {  	[tilespmem:s7+$0x15020] =	vst v0  }
0x37: {  	[tilespmem:s7+$0x15030] =	vst v0  }
0x38: {  	[tilespmem:s7+$0x15040] =	vst v0  }
0x39: {  	[tilespmem:s7+$0x15050] =	vst v0  }
0x3a: {  	[tilespmem:s7+$0x15060] =	vst v0;
	s6 =	rddreg [dreg:$0x14]  }
0x3b: {  	[spmem:s6] =	stream.linear.scatter [tilespmem:s16], [sflag:$0x3], $0x4000, $0x38;
	[tilespmem:$0x1D000] =	vst v63  }
0x3c: {  	_ =	swait.ge [sflag:s17], $0x4000  }
0x3d: {  	[sflag:s17] =	ssyncset.done $0x0  }
0x3e: {  	s9 =	rddreg [dreg:$0x15];
	[sflag:s17] =	ssyncadd.s32 $0xFFFFC000  }
0x3f: {  	[spmem:s9] =	stream.linear.scatter [tilespmem:s16], [sflag:$0x3], $0x4000, $0x38;
	[tilespmem:$0x1D000] =	vst v63  }
0x40: {  	_ =	swait.ge [sflag:s17], $0x4000  }
0x41: {  	[sflag:s17] =	ssyncset.done $0x0  }
0x42: {  	s7 =	rddreg [dreg:$0x16];
	[sflag:s17] =	ssyncadd.s32 $0xFFFFC000  }
0x43: {  	[spmem:s7] =	stream.linear.scatter [tilespmem:s16], [sflag:$0x3], $0x4000, $0x38;
	[tilespmem:$0x1D000] =	vst v63  }
0x44: {  	_ =	swait.ge [sflag:s17], $0x4000  }
0x45: {  	[sflag:s17] =	ssyncset.done $0x0  }
0x46: {  	s8 =	rddreg [dreg:$0x17];
	[sflag:s17] =	ssyncadd.s32 $0xFFFFC000  }
0x47: {  	[spmem:s8] =	stream.linear.scatter [tilespmem:s16], [sflag:$0x3], $0x4000, $0x38;
	[tilespmem:$0x1D000] =	vst v63  }
0x48: {  	_ =	swait.ge [sflag:s17], $0x4000  }
0x49: {  	[sflag:s17] =	ssyncset.done $0x0  }
0x4a: {  	s9 =	rddreg [dreg:$0x18];
	[sflag:s17] =	ssyncadd.s32 $0xFFFFC000  }
0x4b: {  	[spmem:s9] =	stream.linear.scatter [tilespmem:s16], [sflag:$0x3], $0x4000, $0x38;
	[tilespmem:$0x1D000] =	vst v63  }
0x4c: {  	_ =	swait.ge [sflag:s17], $0x4000  }
0x4d: {  	[sflag:s17] =	ssyncset.done $0x0  }
0x4e: {  	[sflag:s17] =	ssyncadd.s32 $0xFFFFC000  }
0x4f: {  	[bflag:$0x0] =	sbarrier.arrive $0xFFFF  }
0x50: {  	s6 =	rddreg [dreg:$0x5]  }
0x51: {  	s7 =	sadd.s32 $0x0, s6  }
0x52: {  	[tilespmem:s18], [sflag:$0x3] =	stream.linear.gather [hbm4b:s7+s4], $0x800, $0x38;
	[tilespmem:$0x1D000] =	vst v63  }
0x53: {  	_ =	swait.ge [sflag:s17], $0x800  }
0x54: {  	s8 =	rddreg [dreg:$0x4];
	[sflag:s17] =	ssyncset.done $0x0  }
0x55: {  	[sflag:s17] =	ssyncadd.s32 $0xFFFFF800;
	s7 =	sadd.s32 $0x0, s8  }
0x56: {  	[tilespmem:s19], [sflag:$0x3] =	stream.linear.gather [hbm4b:s7+s4], $0x800, $0x38;
	[tilespmem:$0x1D000] =	vst v63  }
0x57: {  	_ =	swait.ge [sflag:s17], $0x800  }
0x58: {  	[sflag:s17] =	ssyncset.done $0x0  }
0x59: {  	[sflag:s17] =	ssyncadd.s32 $0xFFFFF800  }
0x5a: {  	[tilespmem:s16], [sflag:$0x1] =	stream.indirect.gather [hbm4b:s0+s20], $0x80, s18, s20, $0xb8;
	[tilespmem:$0x1D000] =	vst v63  }
0x5b: {  	_ =	swait.ge [sflag:s21], $0x4000  }
0x5c: {  	[sflag:s21] =	ssyncset.done $0x0  }
0x5d: {  	s9 =	rddreg [dreg:$0x6];
	[sflag:s21] =	ssyncadd.s32 $0xFFFFC000  }
0x5e: {  	[tilespmem:s22], [sflag:$0x2] =	stream.indirect.gather [hbm4b:s0+s20], $0x80, s9, s20, $0xb8;
	[tilespmem:$0x1D000] =	vst v63  }
0x5f: {  	_ = 	snop  }
0x60: {  	[spmem:s3] =	stream.indirect.scatter.add.f32 [tilespmem:s16], [sflag:$0x3], $0x80, s19, s20, $0xb8;
	[tilespmem:$0x1D000] =	vst v63  }
0x61: {  	_ =	swait.ge [sflag:s17], $0x4000  }
0x62: {  	[sflag:s17] =	ssyncset.done $0x0  }
0x63: {  	[sflag:s17] =	ssyncadd.s32 $0xFFFFC000  }
0x64: {  	_ =	swait.ge [sflag:s23], $0x4000  }
0x65: {  	[sflag:s23] =	ssyncset.done $0x0  }
0x66: {  	s6 =	rddreg [dreg:$0x7];
	[sflag:s23] =	ssyncadd.s32 $0xFFFFC000  }
0x67: {  	[tilespmem:s16], [sflag:$0x1] =	stream.indirect.gather [hbm4b:s0+s20], $0x80, s6, s20, $0xb8;
	[tilespmem:$0x1D000] =	vst v63  }
0x68: {  	s8 =	rddreg [dreg:$0x8]  }
0x69: {  	[spmem:s3] =	stream.indirect.scatter.add.f32 [tilespmem:s22], [sflag:$0x3], $0x80, s8, s20, $0xb8;
	[tilespmem:$0x1D000] =	vst v63  }
0x6a: {  	_ =	swait.ge [sflag:s17], $0x4000  }
0x6b: {  	[sflag:s17] =	ssyncset.done $0x0  }
0x6c: {  	[sflag:s17] =	ssyncadd.s32 $0xFFFFC000  }
0x6d: {  	_ =	swait.ge [sflag:s21], $0x4000  }
0x6e: {  	[sflag:s21] =	ssyncset.done $0x0  }
0x6f: {  	s9 =	rddreg [dreg:$0x9];
	[sflag:s21] =	ssyncadd.s32 $0xFFFFC000  }
0x70: {  	[tilespmem:s22], [sflag:$0x2] =	stream.indirect.gather [hbm4b:s0+s20], $0x80, s9, s20, $0xb8;
	[tilespmem:$0x1D000] =	vst v63  }
0x71: {  	s6 =	rddreg [dreg:$0xa]  }
0x72: {  	[spmem:s3] =	stream.indirect.scatter.add.f32 [tilespmem:s16], [sflag:$0x3], $0x80, s6, s20, $0xb8;
	[tilespmem:$0x1D000] =	vst v63  }
0x73: {  	_ =	swait.ge [sflag:s17], $0x4000  }
0x74: {  	[sflag:s17] =	ssyncset.done $0x0  }
0x75: {  	[sflag:s17] =	ssyncadd.s32 $0xFFFFC000  }
0x76: {  	_ =	swait.ge [sflag:s23], $0x4000  }
0x77: {  	[sflag:s23] =	ssyncset.done $0x0  }
0x78: {  	s9 =	rddreg [dreg:$0xb];
	[sflag:s23] =	ssyncadd.s32 $0xFFFFC000  }
0x79: {  	[tilespmem:s16], [sflag:$0x1] =	stream.indirect.gather [hbm4b:s0+s20], $0x80, s9, s20, $0xb8;
	[tilespmem:$0x1D000] =	vst v63  }
0x7a: {  	s6 =	rddreg [dreg:$0xc]  }
0x7b: {  	[spmem:s3] =	stream.indirect.scatter.add.f32 [tilespmem:s22], [sflag:$0x3], $0x80, s6, s20, $0xb8;
	[tilespmem:$0x1D000] =	vst v63  }
0x7c: {  	_ =	swait.ge [sflag:s17], $0x4000  }
0x7d: {  	[sflag:s17] =	ssyncset.done $0x0  }
0x7e: {  	[sflag:s17] =	ssyncadd.s32 $0xFFFFC000  }
0x7f: {  	_ =	swait.ge [sflag:s21], $0x4000  }
0x80: {  	[sflag:s21] =	ssyncset.done $0x0  }
0x81: {  	s9 =	rddreg [dreg:$0xd];
	[sflag:s21] =	ssyncadd.s32 $0xFFFFC000  }
0x82: {  	[tilespmem:s22], [sflag:$0x2] =	stream.indirect.gather [hbm4b:s0+s20], $0x80, s9, s20, $0xb8;
	[tilespmem:$0x1D000] =	vst v63  }
0x83: {  	s6 =	rddreg [dreg:$0xe]  }
0x84: {  	[spmem:s3] =	stream.indirect.scatter.add.f32 [tilespmem:s16], [sflag:$0x3], $0x80, s6, s20, $0xb8;
	[tilespmem:$0x1D000] =	vst v63  }
0x85: {  	_ =	swait.ge [sflag:s17], $0x4000  }
0x86: {  	[sflag:s17] =	ssyncset.done $0x0  }
0x87: {  	[sflag:s17] =	ssyncadd.s32 $0xFFFFC000  }
0x88: {  	_ =	swait.ge [sflag:s23], $0x4000  }
0x89: {  	[sflag:s23] =	ssyncset.done $0x0  }
0x8a: {  	s9 =	rddreg [dreg:$0xf];
	[sflag:s23] =	ssyncadd.s32 $0xFFFFC000  }
0x8b: {  	[tilespmem:s16], [sflag:$0x1] =	stream.indirect.gather [hbm4b:s0+s20], $0x80, s9, s20, $0xb8;
	[tilespmem:$0x1D000] =	vst v63  }
0x8c: {  	s6 =	rddreg [dreg:$0x10]  }
0x8d: {  	[spmem:s3] =	stream.indirect.scatter.add.f32 [tilespmem:s22], [sflag:$0x3], $0x80, s6, s20, $0xb8;
	[tilespmem:$0x1D000] =	vst v63  }
0x8e: {  	_ =	swait.ge [sflag:s17], $0x4000  }
0x8f: {  	[sflag:s17] =	ssyncset.done $0x0  }
0x90: {  	[sflag:s17] =	ssyncadd.s32 $0xFFFFC000  }
0x91: {  	_ =	swait.ge [sflag:s21], $0x4000  }
0x92: {  	[sflag:s21] =	ssyncset.done $0x0  }
0x93: {  	s9 =	rddreg [dreg:$0x11];
	[sflag:s21] =	ssyncadd.s32 $0xFFFFC000  }
0x94: {  	[tilespmem:s22], [sflag:$0x2] =	stream.indirect.gather [hbm4b:s0+s20], $0x80, s9, s20, $0xb8;
	[tilespmem:$0x1D000] =	vst v63  }
0x95: {  	s6 =	rddreg [dreg:$0x12]  }
0x96: {  	[spmem:s3] =	stream.indirect.scatter.add.f32 [tilespmem:s16], [sflag:$0x3], $0x80, s6, s20, $0xb8;
	[tilespmem:$0x1D000] =	vst v63  }
0x97: {  	_ =	swait.ge [sflag:s17], $0x4000  }
0x98: {  	[sflag:s17] =	ssyncset.done $0x0  }
0x99: {  	[sflag:s17] =	ssyncadd.s32 $0xFFFFC000  }
0x9a: {  	_ =	swait.ge [sflag:s23], $0x4000  }
0x9b: {  	[sflag:s23] =	ssyncset.done $0x0  }
0x9c: {  	s9 =	rddreg [dreg:$0x13];
	[sflag:s23] =	ssyncadd.s32 $0xFFFFC000  }
0x9d: {  	[tilespmem:s16], [sflag:$0x1] =	stream.indirect.gather [hbm4b:s0+s20], $0x80, s9, s20, $0xb8;
	[tilespmem:$0x1D000] =	vst v63  }
0x9e: {  	_ = 	snop  }
0x9f: {  	[spmem:s3] =	stream.indirect.scatter.add.f32 [tilespmem:s22], [sflag:$0x3], $0x80, s24, s20, $0xb8;
	[tilespmem:$0x1D000] =	vst v63  }
0xa0: {  	_ =	swait.ge [sflag:s17], $0x4000  }
0xa1: {  	[sflag:s17] =	ssyncset.done $0x0  }
0xa2: {  	[sflag:s17] =	ssyncadd.s32 $0xFFFFC000  }
0xa3: {  	_ =	swait.ge [sflag:s21], $0x4000  }
0xa4: {  	[sflag:s21] =	ssyncset.done $0x0  }
0xa5: {  	[sflag:s21] =	ssyncadd.s32 $0xFFFFC000  }
0xa6: {  	[tilespmem:s22], [sflag:$0x2] =	stream.indirect.gather [hbm4b:s0+s20], $0x80, s25, s20, $0xb8;
	[tilespmem:$0x1D000] =	vst v63  }
0xa7: {  	_ = 	snop  }
0xa8: {  	[spmem:s3] =	stream.indirect.scatter.add.f32 [tilespmem:s16], [sflag:$0x3], $0x80, s26, s20, $0xb8;
	[tilespmem:$0x1D000] =	vst v63  }
0xa9: {  	_ =	swait.ge [sflag:s17], $0x4000  }
0xaa: {  	[sflag:s17] =	ssyncset.done $0x0  }
0xab: {  	[sflag:s17] =	ssyncadd.s32 $0xFFFFC000  }
0xac: {  	_ =	swait.ge [sflag:s23], $0x4000  }
0xad: {  	[sflag:s23] =	ssyncset.done $0x0  }
0xae: {  	[sflag:s23] =	ssyncadd.s32 $0xFFFFC000  }
0xaf: {  	[tilespmem:s16], [sflag:$0x1] =	stream.indirect.gather [hbm4b:s0+s20], $0x80, s28, s20, $0xb8;
	[tilespmem:$0x1D000] =	vst v63  }
0xb0: {  	_ = 	snop  }
0xb1: {  	[spmem:s3] =	stream.indirect.scatter.add.f32 [tilespmem:s22], [sflag:$0x3], $0x80, s29, s20, $0xb8;
	[tilespmem:$0x1D000] =	vst v63  }
0xb2: {  	_ =	swait.ge [sflag:s17], $0x4000  }
0xb3: {  	[sflag:s17] =	ssyncset.done $0x0  }
0xb4: {  	[sflag:s17] =	ssyncadd.s32 $0xFFFFC000  }
0xb5: {  	_ =	swait.ge [sflag:s21], $0x4000  }
0xb6: {  	[sflag:s21] =	ssyncset.done $0x0  }
0xb7: {  	[sflag:s21] =	ssyncadd.s32 $0xFFFFC000  }
0xb8: {  	[tilespmem:s22], [sflag:$0x2] =	stream.indirect.gather [hbm4b:s0+s20], $0x80, s30, s20, $0xb8;
	[tilespmem:$0x1D000] =	vst v63  }
0xb9: {  	_ = 	snop  }
0xba: {  	[spmem:s3] =	stream.indirect.scatter.add.f32 [tilespmem:s16], [sflag:$0x3], $0x80, s31, s20, $0xb8;
	[tilespmem:$0x1D000] =	vst v63  }
0xbb: {  	_ =	swait.ge [sflag:s17], $0x4000  }
0xbc: {  	[sflag:s17] =	ssyncset.done $0x0  }
0xbd: {  	[sflag:s17] =	ssyncadd.s32 $0xFFFFC000  }
0xbe: {  	_ =	swait.ge [sflag:s23], $0x4000  }
0xbf: {  	[sflag:s23] =	ssyncset.done $0x0  }
0xc0: {  	[sflag:s23] =	ssyncadd.s32 $0xFFFFC000  }
0xc1: {  	[tilespmem:s16], [sflag:$0x1] =	stream.indirect.gather [hbm4b:s0+s20], $0x80, s1, s20, $0xb8;
	[tilespmem:$0x1D000] =	vst v63  }
0xc2: {  	_ = 	snop  }
0xc3: {  	[spmem:s3] =	stream.indirect.scatter.add.f32 [tilespmem:s22], [sflag:$0x3], $0x80, s2, s20, $0xb8;
	[tilespmem:$0x1D000] =	vst v63  }
0xc4: {  	_ =	swait.ge [sflag:s17], $0x4000  }
0xc5: {  	[sflag:s17] =	ssyncset.done $0x0  }
0xc6: {  	[sflag:s17] =	ssyncadd.s32 $0xFFFFC000  }
0xc7: {  	_ =	swait.ge [sflag:s21], $0x4000  }
0xc8: {  	[sflag:s21] =	ssyncset.done $0x0  }
0xc9: {  	[sflag:s21] =	ssyncadd.s32 $0xFFFFC000  }
0xca: {  	[tilespmem:s22], [sflag:$0x2] =	stream.indirect.gather [hbm4b:s0+s20], $0x80, s10, s20, $0xb8;
	[tilespmem:$0x1D000] =	vst v63  }
0xcb: {  	_ = 	snop  }
0xcc: {  	[spmem:s3] =	stream.indirect.scatter.add.f32 [tilespmem:s16], [sflag:$0x3], $0x80, s11, s20, $0xb8;
	[tilespmem:$0x1D000] =	vst v63  }
0xcd: {  	_ =	swait.ge [sflag:s17], $0x4000  }
0xce: {  	[sflag:s17] =	ssyncset.done $0x0  }
0xcf: {  	[sflag:s17] =	ssyncadd.s32 $0xFFFFC000  }
0xd0: {  	_ =	swait.ge [sflag:s23], $0x4000  }
0xd1: {  	[sflag:s23] =	ssyncset.done $0x0  }
0xd2: {  	[sflag:s23] =	ssyncadd.s32 $0xFFFFC000  }
0xd3: {  	[tilespmem:s16], [sflag:$0x1] =	stream.indirect.gather [hbm4b:s0+s20], $0x80, s12, s20, $0xb8;
	[tilespmem:$0x1D000] =	vst v63  }
0xd4: {  	_ = 	snop  }
0xd5: {  	[spmem:s3] =	stream.indirect.scatter.add.f32 [tilespmem:s22], [sflag:$0x3], $0x80, s13, s20, $0xb8;
	[tilespmem:$0x1D000] =	vst v63  }
0xd6: {  	_ =	swait.ge [sflag:s17], $0x4000  }
0xd7: {  	[sflag:s17] =	ssyncset.done $0x0  }
0xd8: {  	[sflag:s17] =	ssyncadd.s32 $0xFFFFC000  }
0xd9: {  	_ =	swait.ge [sflag:s21], $0x4000  }
0xda: {  	[sflag:s21] =	ssyncset.done $0x0  }
0xdb: {  	[sflag:s21] =	ssyncadd.s32 $0xFFFFC000  }
0xdc: {  	[tilespmem:s22], [sflag:$0x2] =	stream.indirect.gather [hbm4b:s0+s20], $0x80, s14, s20, $0xb8;
	[tilespmem:$0x1D000] =	vst v63  }
0xdd: {  	_ = 	snop  }
0xde: {  	[spmem:s3] =	stream.indirect.scatter.add.f32 [tilespmem:s16], [sflag:$0x3], $0x80, s15, s20, $0xb8;
	[tilespmem:$0x1D000] =	vst v63  }
0xdf: {  	_ =	swait.ge [sflag:s17], $0x4000  }
0xe0: {  	[sflag:s17] =	ssyncset.done $0x0  }
0xe1: {  	[sflag:s17] =	ssyncadd.s32 $0xFFFFC000  }
0xe2: {  	_ =	swait.ge [sflag:s23], $0x4000  }
0xe3: {  	[sflag:s23] =	ssyncset.done $0x0  }
0xe4: {  	[sflag:s23] =	ssyncadd.s32 $0xFFFFC000  }
0xe5: {  	[spmem:s3] =	stream.indirect.scatter.add.f32 [tilespmem:s22], [sflag:$0x3], $0x80, s5, s20, $0xb8;
	[tilespmem:$0x1D000] =	vst v63  }
0xe6: {  	s7 =	simm.s32 $0x100;
	_ =	swait.ge [sflag:s17], $0x4000  }
0xe7: {  	s8 =	simm.s32 $0x200;
	s9 =	rddreg [dreg:$0x5];
	[sflag:s17] =	ssyncset.done $0x0  }
.LBB2_4:
0xe8: {  	[sflag:s17] =	ssyncadd.s32 $0xFFFFC000;
	s9 =	sadd.s32 s7, s9  }
0xe9: {  	[tilespmem:s18], [sflag:$0x3] =	stream.linear.gather [hbm4b:s9+s4], $0x800, $0x38;
	[tilespmem:$0x1D000] =	vst v63  }
0xea: {  	_ =	swait.ge [sflag:s17], $0x800  }
0xeb: {  	s9 =	rddreg [dreg:$0x4];
	[sflag:s17] =	ssyncset.done $0x0  }
0xec: {  	[sflag:s17] =	ssyncadd.s32 $0xFFFFF800;
	s9 =	sadd.s32 s7, s9  }
0xed: {  	[tilespmem:s19], [sflag:$0x3] =	stream.linear.gather [hbm4b:s9+s4], $0x800, $0x38;
	[tilespmem:$0x1D000] =	vst v63  }
0xee: {  	_ =	swait.ge [sflag:s17], $0x800  }
0xef: {  	[sflag:s17] =	ssyncset.done $0x0  }
0xf0: {  	[sflag:s17] =	ssyncadd.s32 $0xFFFFF800  }
0xf1: {  	[tilespmem:s16], [sflag:$0x1] =	stream.indirect.gather [hbm4b:s0+s20], $0x80, s18, s20, $0xb8;
	[tilespmem:$0x1D000] =	vst v63  }
0xf2: {  	_ =	swait.ge [sflag:s21], $0x4000  }
0xf3: {  	[sflag:s21] =	ssyncset.done $0x0  }
0xf4: {  	s9 =	rddreg [dreg:$0x6];
	[sflag:s21] =	ssyncadd.s32 $0xFFFFC000  }
0xf5: {  	[tilespmem:s22], [sflag:$0x2] =	stream.indirect.gather [hbm4b:s0+s20], $0x80, s9, s20, $0xb8;
	[tilespmem:$0x1D000] =	vst v63  }
0xf6: {  	_ = 	snop  }
0xf7: {  	[spmem:s3] =	stream.indirect.scatter.add.f32 [tilespmem:s16], [sflag:$0x3], $0x80, s19, s20, $0xb8;
	[tilespmem:$0x1D000] =	vst v63  }
0xf8: {  	_ =	swait.ge [sflag:s17], $0x4000  }
0xf9: {  	[sflag:s17] =	ssyncset.done $0x0  }
0xfa: {  	[sflag:s17] =	ssyncadd.s32 $0xFFFFC000  }
0xfb: {  	_ =	swait.ge [sflag:s23], $0x4000  }
0xfc: {  	s6 =	smov.u32 s8;
	[sflag:s23] =	ssyncset.done $0x0  }
0xfd: {  	s7 =	smov.u32 s6;
	s6 =	rddreg [dreg:$0x7];
	[sflag:s23] =	ssyncadd.s32 $0xFFFFC000  }
0xfe: {  	[tilespmem:s16], [sflag:$0x1] =	stream.indirect.gather [hbm4b:s0+s20], $0x80, s6, s20, $0xb8;
	[tilespmem:$0x1D000] =	vst v63  }
0xff: {  	s9 =	rddreg [dreg:$0x8]  }
0x100: {  	[spmem:s3] =	stream.indirect.scatter.add.f32 [tilespmem:s22], [sflag:$0x3], $0x80, s9, s20, $0xb8;
	[tilespmem:$0x1D000] =	vst v63  }
0x101: {  	_ =	swait.ge [sflag:s17], $0x4000  }
0x102: {  	[sflag:s17] =	ssyncset.done $0x0  }
0x103: {  	[sflag:s17] =	ssyncadd.s32 $0xFFFFC000  }
0x104: {  	_ =	swait.ge [sflag:s21], $0x4000  }
0x105: {  	[sflag:s21] =	ssyncset.done $0x0  }
0x106: {  	s6 =	rddreg [dreg:$0x9];
	[sflag:s21] =	ssyncadd.s32 $0xFFFFC000  }
0x107: {  	[tilespmem:s22], [sflag:$0x2] =	stream.indirect.gather [hbm4b:s0+s20], $0x80, s6, s20, $0xb8;
	[tilespmem:$0x1D000] =	vst v63  }
0x108: {  	s9 =	rddreg [dreg:$0xa]  }
0x109: {  	[spmem:s3] =	stream.indirect.scatter.add.f32 [tilespmem:s16], [sflag:$0x3], $0x80, s9, s20, $0xb8;
	[tilespmem:$0x1D000] =	vst v63  }
0x10a: {  	_ =	swait.ge [sflag:s17], $0x4000  }
0x10b: {  	[sflag:s17] =	ssyncset.done $0x0  }
0x10c: {  	[sflag:s17] =	ssyncadd.s32 $0xFFFFC000  }
0x10d: {  	_ =	swait.ge [sflag:s23], $0x4000  }
0x10e: {  	[sflag:s23] =	ssyncset.done $0x0  }
0x10f: {  	s6 =	rddreg [dreg:$0xb];
	[sflag:s23] =	ssyncadd.s32 $0xFFFFC000  }
0x110: {  	[tilespmem:s16], [sflag:$0x1] =	stream.indirect.gather [hbm4b:s0+s20], $0x80, s6, s20, $0xb8;
	[tilespmem:$0x1D000] =	vst v63  }
0x111: {  	s9 =	rddreg [dreg:$0xc]  }
0x112: {  	[spmem:s3] =	stream.indirect.scatter.add.f32 [tilespmem:s22], [sflag:$0x3], $0x80, s9, s20, $0xb8;
	[tilespmem:$0x1D000] =	vst v63  }
0x113: {  	_ =	swait.ge [sflag:s17], $0x4000  }
0x114: {  	[sflag:s17] =	ssyncset.done $0x0  }
0x115: {  	[sflag:s17] =	ssyncadd.s32 $0xFFFFC000  }
0x116: {  	_ =	swait.ge [sflag:s21], $0x4000  }
0x117: {  	[sflag:s21] =	ssyncset.done $0x0  }
0x118: {  	s6 =	rddreg [dreg:$0xd];
	[sflag:s21] =	ssyncadd.s32 $0xFFFFC000  }
0x119: {  	[tilespmem:s22], [sflag:$0x2] =	stream.indirect.gather [hbm4b:s0+s20], $0x80, s6, s20, $0xb8;
	[tilespmem:$0x1D000] =	vst v63  }
0x11a: {  	s9 =	rddreg [dreg:$0xe]  }
0x11b: {  	[spmem:s3] =	stream.indirect.scatter.add.f32 [tilespmem:s16], [sflag:$0x3], $0x80, s9, s20, $0xb8;
	[tilespmem:$0x1D000] =	vst v63  }
0x11c: {  	_ =	swait.ge [sflag:s17], $0x4000  }
0x11d: {  	[sflag:s17] =	ssyncset.done $0x0  }
0x11e: {  	[sflag:s17] =	ssyncadd.s32 $0xFFFFC000  }
0x11f: {  	_ =	swait.ge [sflag:s23], $0x4000  }
0x120: {  	[sflag:s23] =	ssyncset.done $0x0  }
0x121: {  	s6 =	rddreg [dreg:$0xf];
	[sflag:s23] =	ssyncadd.s32 $0xFFFFC000  }
0x122: {  	[tilespmem:s16], [sflag:$0x1] =	stream.indirect.gather [hbm4b:s0+s20], $0x80, s6, s20, $0xb8;
	[tilespmem:$0x1D000] =	vst v63  }
0x123: {  	s9 =	rddreg [dreg:$0x10]  }
0x124: {  	[spmem:s3] =	stream.indirect.scatter.add.f32 [tilespmem:s22], [sflag:$0x3], $0x80, s9, s20, $0xb8;
	[tilespmem:$0x1D000] =	vst v63  }
0x125: {  	_ =	swait.ge [sflag:s17], $0x4000  }
0x126: {  	[sflag:s17] =	ssyncset.done $0x0  }
0x127: {  	[sflag:s17] =	ssyncadd.s32 $0xFFFFC000  }
0x128: {  	_ =	swait.ge [sflag:s21], $0x4000  }
0x129: {  	[sflag:s21] =	ssyncset.done $0x0  }
0x12a: {  	s6 =	rddreg [dreg:$0x11];
	[sflag:s21] =	ssyncadd.s32 $0xFFFFC000  }
0x12b: {  	[tilespmem:s22], [sflag:$0x2] =	stream.indirect.gather [hbm4b:s0+s20], $0x80, s6, s20, $0xb8;
	[tilespmem:$0x1D000] =	vst v63  }
0x12c: {  	s9 =	rddreg [dreg:$0x12]  }
0x12d: {  	[spmem:s3] =	stream.indirect.scatter.add.f32 [tilespmem:s16], [sflag:$0x3], $0x80, s9, s20, $0xb8;
	[tilespmem:$0x1D000] =	vst v63  }
0x12e: {  	_ =	swait.ge [sflag:s17], $0x4000  }
0x12f: {  	[sflag:s17] =	ssyncset.done $0x0  }
0x130: {  	[sflag:s17] =	ssyncadd.s32 $0xFFFFC000  }
0x131: {  	_ =	swait.ge [sflag:s23], $0x4000  }
0x132: {  	[sflag:s23] =	ssyncset.done $0x0  }
0x133: {  	s9 =	rddreg [dreg:$0x13];
	[sflag:s23] =	ssyncadd.s32 $0xFFFFC000  }
0x134: {  	[tilespmem:s16], [sflag:$0x1] =	stream.indirect.gather [hbm4b:s0+s20], $0x80, s9, s20, $0xb8;
	[tilespmem:$0x1D000] =	vst v63  }
0x135: {  	_ = 	snop  }
0x136: {  	[spmem:s3] =	stream.indirect.scatter.add.f32 [tilespmem:s22], [sflag:$0x3], $0x80, s24, s20, $0xb8;
	[tilespmem:$0x1D000] =	vst v63  }
0x137: {  	_ =	swait.ge [sflag:s17], $0x4000  }
0x138: {  	[sflag:s17] =	ssyncset.done $0x0  }
0x139: {  	[sflag:s17] =	ssyncadd.s32 $0xFFFFC000  }
0x13a: {  	_ =	swait.ge [sflag:s21], $0x4000  }
0x13b: {  	[sflag:s21] =	ssyncset.done $0x0  }
0x13c: {  	[sflag:s21] =	ssyncadd.s32 $0xFFFFC000  }
0x13d: {  	[tilespmem:s22], [sflag:$0x2] =	stream.indirect.gather [hbm4b:s0+s20], $0x80, s25, s20, $0xb8;
	[tilespmem:$0x1D000] =	vst v63  }
0x13e: {  	_ = 	snop  }
0x13f: {  	[spmem:s3] =	stream.indirect.scatter.add.f32 [tilespmem:s16], [sflag:$0x3], $0x80, s26, s20, $0xb8;
	[tilespmem:$0x1D000] =	vst v63  }
0x140: {  	_ =	swait.ge [sflag:s17], $0x4000  }
0x141: {  	[sflag:s17] =	ssyncset.done $0x0  }
0x142: {  	[sflag:s17] =	ssyncadd.s32 $0xFFFFC000  }
0x143: {  	_ =	swait.ge [sflag:s23], $0x4000  }
0x144: {  	[sflag:s23] =	ssyncset.done $0x0  }
0x145: {  	[sflag:s23] =	ssyncadd.s32 $0xFFFFC000  }
0x146: {  	[tilespmem:s16], [sflag:$0x1] =	stream.indirect.gather [hbm4b:s0+s20], $0x80, s28, s20, $0xb8;
	[tilespmem:$0x1D000] =	vst v63  }
0x147: {  	_ = 	snop  }
0x148: {  	[spmem:s3] =	stream.indirect.scatter.add.f32 [tilespmem:s22], [sflag:$0x3], $0x80, s29, s20, $0xb8;
	[tilespmem:$0x1D000] =	vst v63  }
0x149: {  	_ =	swait.ge [sflag:s17], $0x4000  }
0x14a: {  	[sflag:s17] =	ssyncset.done $0x0  }
0x14b: {  	[sflag:s17] =	ssyncadd.s32 $0xFFFFC000  }
0x14c: {  	_ =	swait.ge [sflag:s21], $0x4000  }
0x14d: {  	[sflag:s21] =	ssyncset.done $0x0  }
0x14e: {  	[sflag:s21] =	ssyncadd.s32 $0xFFFFC000  }
0x14f: {  	[tilespmem:s22], [sflag:$0x2] =	stream.indirect.gather [hbm4b:s0+s20], $0x80, s30, s20, $0xb8;
	[tilespmem:$0x1D000] =	vst v63  }
0x150: {  	_ = 	snop  }
0x151: {  	[spmem:s3] =	stream.indirect.scatter.add.f32 [tilespmem:s16], [sflag:$0x3], $0x80, s31, s20, $0xb8;
	[tilespmem:$0x1D000] =	vst v63  }
0x152: {  	_ =	swait.ge [sflag:s17], $0x4000  }
0x153: {  	[sflag:s17] =	ssyncset.done $0x0  }
0x154: {  	[sflag:s17] =	ssyncadd.s32 $0xFFFFC000  }
0x155: {  	_ =	swait.ge [sflag:s23], $0x4000  }
0x156: {  	[sflag:s23] =	ssyncset.done $0x0  }
0x157: {  	[sflag:s23] =	ssyncadd.s32 $0xFFFFC000  }
0x158: {  	[tilespmem:s16], [sflag:$0x1] =	stream.indirect.gather [hbm4b:s0+s20], $0x80, s1, s20, $0xb8;
	[tilespmem:$0x1D000] =	vst v63  }
0x159: {  	_ = 	snop  }
0x15a: {  	[spmem:s3] =	stream.indirect.scatter.add.f32 [tilespmem:s22], [sflag:$0x3], $0x80, s2, s20, $0xb8;
	[tilespmem:$0x1D000] =	vst v63  }
0x15b: {  	_ =	swait.ge [sflag:s17], $0x4000  }
0x15c: {  	[sflag:s17] =	ssyncset.done $0x0  }
0x15d: {  	[sflag:s17] =	ssyncadd.s32 $0xFFFFC000  }
0x15e: {  	_ =	swait.ge [sflag:s21], $0x4000  }
0x15f: {  	[sflag:s21] =	ssyncset.done $0x0  }
0x160: {  	[sflag:s21] =	ssyncadd.s32 $0xFFFFC000  }
0x161: {  	[tilespmem:s22], [sflag:$0x2] =	stream.indirect.gather [hbm4b:s0+s20], $0x80, s10, s20, $0xb8;
	[tilespmem:$0x1D000] =	vst v63  }
0x162: {  	_ = 	snop  }
0x163: {  	[spmem:s3] =	stream.indirect.scatter.add.f32 [tilespmem:s16], [sflag:$0x3], $0x80, s11, s20, $0xb8;
	[tilespmem:$0x1D000] =	vst v63  }
0x164: {  	_ =	swait.ge [sflag:s17], $0x4000  }
0x165: {  	[sflag:s17] =	ssyncset.done $0x0  }
0x166: {  	[sflag:s17] =	ssyncadd.s32 $0xFFFFC000  }
0x167: {  	_ =	swait.ge [sflag:s23], $0x4000  }
0x168: {  	[sflag:s23] =	ssyncset.done $0x0  }
0x169: {  	[sflag:s23] =	ssyncadd.s32 $0xFFFFC000  }
0x16a: {  	[tilespmem:s16], [sflag:$0x1] =	stream.indirect.gather [hbm4b:s0+s20], $0x80, s12, s20, $0xb8;
	[tilespmem:$0x1D000] =	vst v63  }
0x16b: {  	_ = 	snop  }
0x16c: {  	[spmem:s3] =	stream.indirect.scatter.add.f32 [tilespmem:s22], [sflag:$0x3], $0x80, s13, s20, $0xb8;
	[tilespmem:$0x1D000] =	vst v63  }
0x16d: {  	_ =	swait.ge [sflag:s17], $0x4000  }
0x16e: {  	[sflag:s17] =	ssyncset.done $0x0  }
0x16f: {  	[sflag:s17] =	ssyncadd.s32 $0xFFFFC000  }
0x170: {  	_ =	swait.ge [sflag:s21], $0x4000  }
0x171: {  	[sflag:s21] =	ssyncset.done $0x0  }
0x172: {  	[sflag:s21] =	ssyncadd.s32 $0xFFFFC000  }
0x173: {  	[tilespmem:s22], [sflag:$0x2] =	stream.indirect.gather [hbm4b:s0+s20], $0x80, s14, s20, $0xb8;
	[tilespmem:$0x1D000] =	vst v63  }
0x174: {  	_ = 	snop  }
0x175: {  	[spmem:s3] =	stream.indirect.scatter.add.f32 [tilespmem:s16], [sflag:$0x3], $0x80, s15, s20, $0xb8;
	[tilespmem:$0x1D000] =	vst v63  }
0x176: {  	_ =	swait.ge [sflag:s17], $0x4000  }
0x177: {  	[sflag:s17] =	ssyncset.done $0x0  }
0x178: {  	[sflag:s17] =	ssyncadd.s32 $0xFFFFC000  }
0x179: {  	p0 =	sne.s32 s8, $0x400;
	_ =	swait.ge [sflag:s23], $0x4000  }
.Ltmp1:
0x17a: {  	[sflag:s23] =	ssyncset.done $0x0;
	(pc) =	sbr.rel @p0 .LBB2_4-.Ltmp1, $4  }
0x17b: {  	[sflag:s23] =	ssyncadd.s32 $0xFFFFC000  }
0x17c: {  	[spmem:s3] =	stream.indirect.scatter.add.f32 [tilespmem:s22], [sflag:$0x3], $0x80, s5, s20, $0xb8;
	[tilespmem:$0x1D000] =	vst v63  }
0x17d: {  	_ =	swait.ge [sflag:s17], $0x4000  }
0x17e: {  	s8 =	sadd.s32 $0x100, s8;
	s9 =	rddreg [dreg:$0x5];
	[sflag:s17] =	ssyncset.done $0x0  }
0x17f: {  	[sflag:s17] =	ssyncadd.s32 $0xFFFFC000;
	s6 =	sadd.s32 s7, s9  }
0x180: {  	[tilespmem:s18], [sflag:$0x3] =	stream.linear.gather [hbm4b:s6+s4], $0x800, $0x38;
	[tilespmem:$0x1D000] =	vst v63  }
0x181: {  	_ =	swait.ge [sflag:s17], $0x800  }
0x182: {  	s9 =	rddreg [dreg:$0x4];
	[sflag:s17] =	ssyncset.done $0x0  }
0x183: {  	[sflag:s17] =	ssyncadd.s32 $0xFFFFF800;
	s6 =	sadd.s32 s7, s9  }
0x184: {  	[tilespmem:s19], [sflag:$0x3] =	stream.linear.gather [hbm4b:s6+s4], $0x800, $0x38;
	[tilespmem:$0x1D000] =	vst v63  }
0x185: {  	_ =	swait.ge [sflag:s17], $0x800  }
0x186: {  	[sflag:s17] =	ssyncset.done $0x0  }
0x187: {  	[sflag:s17] =	ssyncadd.s32 $0xFFFFF800  }
0x188: {  	[tilespmem:s16], [sflag:$0x1] =	stream.indirect.gather [hbm4b:s0+s20], $0x80, s18, s20, $0xb8;
	[tilespmem:$0x1D000] =	vst v63  }
0x189: {  	_ =	swait.ge [sflag:s21], $0x4000  }
0x18a: {  	[sflag:s21] =	ssyncset.done $0x0  }
0x18b: {  	s7 =	rddreg [dreg:$0x6];
	[sflag:s21] =	ssyncadd.s32 $0xFFFFC000  }
0x18c: {  	[tilespmem:s22], [sflag:$0x2] =	stream.indirect.gather [hbm4b:s0+s20], $0x80, s7, s20, $0xb8;
	[tilespmem:$0x1D000] =	vst v63  }
0x18d: {  	_ = 	snop  }
0x18e: {  	[spmem:s3] =	stream.indirect.scatter.add.f32 [tilespmem:s16], [sflag:$0x3], $0x80, s19, s20, $0xb8;
	[tilespmem:$0x1D000] =	vst v63  }
0x18f: {  	_ =	swait.ge [sflag:s17], $0x4000  }
0x190: {  	[sflag:s17] =	ssyncset.done $0x0  }
0x191: {  	[sflag:s17] =	ssyncadd.s32 $0xFFFFC000  }
0x192: {  	_ =	swait.ge [sflag:s23], $0x4000  }
0x193: {  	[sflag:s23] =	ssyncset.done $0x0  }
0x194: {  	s8 =	rddreg [dreg:$0x7];
	[sflag:s23] =	ssyncadd.s32 $0xFFFFC000  }
0x195: {  	[tilespmem:s16], [sflag:$0x1] =	stream.indirect.gather [hbm4b:s0+s20], $0x80, s8, s20, $0xb8;
	[tilespmem:$0x1D000] =	vst v63  }
0x196: {  	s9 =	rddreg [dreg:$0x8]  }
0x197: {  	[spmem:s3] =	stream.indirect.scatter.add.f32 [tilespmem:s22], [sflag:$0x3], $0x80, s9, s20, $0xb8;
	[tilespmem:$0x1D000] =	vst v63  }
0x198: {  	_ =	swait.ge [sflag:s17], $0x4000  }
0x199: {  	[sflag:s17] =	ssyncset.done $0x0  }
0x19a: {  	[sflag:s17] =	ssyncadd.s32 $0xFFFFC000  }
0x19b: {  	_ =	swait.ge [sflag:s21], $0x4000  }
0x19c: {  	[sflag:s21] =	ssyncset.done $0x0  }
0x19d: {  	s8 =	rddreg [dreg:$0x9];
	[sflag:s21] =	ssyncadd.s32 $0xFFFFC000  }
0x19e: {  	[tilespmem:s22], [sflag:$0x2] =	stream.indirect.gather [hbm4b:s0+s20], $0x80, s8, s20, $0xb8;
	[tilespmem:$0x1D000] =	vst v63  }
0x19f: {  	s9 =	rddreg [dreg:$0xa]  }
0x1a0: {  	[spmem:s3] =	stream.indirect.scatter.add.f32 [tilespmem:s16], [sflag:$0x3], $0x80, s9, s20, $0xb8;
	[tilespmem:$0x1D000] =	vst v63  }
0x1a1: {  	_ =	swait.ge [sflag:s17], $0x4000  }
0x1a2: {  	[sflag:s17] =	ssyncset.done $0x0  }
0x1a3: {  	[sflag:s17] =	ssyncadd.s32 $0xFFFFC000  }
0x1a4: {  	_ =	swait.ge [sflag:s23], $0x4000  }
0x1a5: {  	[sflag:s23] =	ssyncset.done $0x0  }
0x1a6: {  	s8 =	rddreg [dreg:$0xb];
	[sflag:s23] =	ssyncadd.s32 $0xFFFFC000  }
0x1a7: {  	[tilespmem:s16], [sflag:$0x1] =	stream.indirect.gather [hbm4b:s0+s20], $0x80, s8, s20, $0xb8;
	[tilespmem:$0x1D000] =	vst v63  }
0x1a8: {  	s9 =	rddreg [dreg:$0xc]  }
0x1a9: {  	[spmem:s3] =	stream.indirect.scatter.add.f32 [tilespmem:s22], [sflag:$0x3], $0x80, s9, s20, $0xb8;
	[tilespmem:$0x1D000] =	vst v63  }
0x1aa: {  	_ =	swait.ge [sflag:s17], $0x4000  }
0x1ab: {  	[sflag:s17] =	ssyncset.done $0x0  }
0x1ac: {  	[sflag:s17] =	ssyncadd.s32 $0xFFFFC000  }
0x1ad: {  	_ =	swait.ge [sflag:s21], $0x4000  }
0x1ae: {  	[sflag:s21] =	ssyncset.done $0x0  }
0x1af: {  	s8 =	rddreg [dreg:$0xd];
	[sflag:s21] =	ssyncadd.s32 $0xFFFFC000  }
0x1b0: {  	[tilespmem:s22], [sflag:$0x2] =	stream.indirect.gather [hbm4b:s0+s20], $0x80, s8, s20, $0xb8;
	[tilespmem:$0x1D000] =	vst v63  }
0x1b1: {  	s9 =	rddreg [dreg:$0xe]  }
0x1b2: {  	[spmem:s3] =	stream.indirect.scatter.add.f32 [tilespmem:s16], [sflag:$0x3], $0x80, s9, s20, $0xb8;
	[tilespmem:$0x1D000] =	vst v63  }
0x1b3: {  	_ =	swait.ge [sflag:s17], $0x4000  }
0x1b4: {  	[sflag:s17] =	ssyncset.done $0x0  }
0x1b5: {  	[sflag:s17] =	ssyncadd.s32 $0xFFFFC000  }
0x1b6: {  	_ =	swait.ge [sflag:s23], $0x4000  }
0x1b7: {  	[sflag:s23] =	ssyncset.done $0x0  }
0x1b8: {  	s8 =	rddreg [dreg:$0xf];
	[sflag:s23] =	ssyncadd.s32 $0xFFFFC000  }
0x1b9: {  	[tilespmem:s16], [sflag:$0x1] =	stream.indirect.gather [hbm4b:s0+s20], $0x80, s8, s20, $0xb8;
	[tilespmem:$0x1D000] =	vst v63  }
0x1ba: {  	s9 =	rddreg [dreg:$0x10]  }
0x1bb: {  	[spmem:s3] =	stream.indirect.scatter.add.f32 [tilespmem:s22], [sflag:$0x3], $0x80, s9, s20, $0xb8;
	[tilespmem:$0x1D000] =	vst v63  }
0x1bc: {  	_ =	swait.ge [sflag:s17], $0x4000  }
0x1bd: {  	[sflag:s17] =	ssyncset.done $0x0  }
0x1be: {  	[sflag:s17] =	ssyncadd.s32 $0xFFFFC000  }
0x1bf: {  	_ =	swait.ge [sflag:s21], $0x4000  }
0x1c0: {  	[sflag:s21] =	ssyncset.done $0x0  }
0x1c1: {  	s7 =	rddreg [dreg:$0x11];
	[sflag:s21] =	ssyncadd.s32 $0xFFFFC000  }
0x1c2: {  	[tilespmem:s22], [sflag:$0x2] =	stream.indirect.gather [hbm4b:s0+s20], $0x80, s7, s20, $0xb8;
	[tilespmem:$0x1D000] =	vst v63  }
0x1c3: {  	s8 =	rddreg [dreg:$0x12]  }
0x1c4: {  	[spmem:s3] =	stream.indirect.scatter.add.f32 [tilespmem:s16], [sflag:$0x3], $0x80, s8, s20, $0xb8;
	[tilespmem:$0x1D000] =	vst v63  }
0x1c5: {  	_ =	swait.ge [sflag:s17], $0x4000  }
0x1c6: {  	[sflag:s17] =	ssyncset.done $0x0  }
0x1c7: {  	[sflag:s17] =	ssyncadd.s32 $0xFFFFC000  }
0x1c8: {  	_ =	swait.ge [sflag:s23], $0x4000  }
0x1c9: {  	[sflag:s23] =	ssyncset.done $0x0  }
0x1ca: {  	s9 =	rddreg [dreg:$0x13];
	[sflag:s23] =	ssyncadd.s32 $0xFFFFC000  }
0x1cb: {  	[tilespmem:s16], [sflag:$0x1] =	stream.indirect.gather [hbm4b:s0+s20], $0x80, s9, s20, $0xb8;
	[tilespmem:$0x1D000] =	vst v63  }
0x1cc: {  	_ = 	snop  }
0x1cd: {  	[spmem:s3] =	stream.indirect.scatter.add.f32 [tilespmem:s22], [sflag:$0x3], $0x80, s24, s20, $0xb8;
	[tilespmem:$0x1D000] =	vst v63  }
0x1ce: {  	_ =	swait.ge [sflag:s17], $0x4000  }
0x1cf: {  	[sflag:s17] =	ssyncset.done $0x0  }
0x1d0: {  	[sflag:s17] =	ssyncadd.s32 $0xFFFFC000  }
0x1d1: {  	_ =	swait.ge [sflag:s21], $0x4000  }
0x1d2: {  	[sflag:s21] =	ssyncset.done $0x0  }
0x1d3: {  	[sflag:s21] =	ssyncadd.s32 $0xFFFFC000  }
0x1d4: {  	[tilespmem:s22], [sflag:$0x2] =	stream.indirect.gather [hbm4b:s0+s20], $0x80, s25, s20, $0xb8;
	[tilespmem:$0x1D000] =	vst v63  }
0x1d5: {  	_ = 	snop  }
0x1d6: {  	[spmem:s3] =	stream.indirect.scatter.add.f32 [tilespmem:s16], [sflag:$0x3], $0x80, s26, s20, $0xb8;
	[tilespmem:$0x1D000] =	vst v63  }
0x1d7: {  	_ =	swait.ge [sflag:s17], $0x4000  }
0x1d8: {  	[sflag:s17] =	ssyncset.done $0x0  }
0x1d9: {  	[sflag:s17] =	ssyncadd.s32 $0xFFFFC000  }
0x1da: {  	_ =	swait.ge [sflag:s23], $0x4000  }
0x1db: {  	[sflag:s23] =	ssyncset.done $0x0  }
0x1dc: {  	[sflag:s23] =	ssyncadd.s32 $0xFFFFC000  }
0x1dd: {  	[tilespmem:s16], [sflag:$0x1] =	stream.indirect.gather [hbm4b:s0+s20], $0x80, s28, s20, $0xb8;
	[tilespmem:$0x1D000] =	vst v63  }
0x1de: {  	_ = 	snop  }
0x1df: {  	[spmem:s3] =	stream.indirect.scatter.add.f32 [tilespmem:s22], [sflag:$0x3], $0x80, s29, s20, $0xb8;
	[tilespmem:$0x1D000] =	vst v63  }
0x1e0: {  	_ =	swait.ge [sflag:s17], $0x4000  }
0x1e1: {  	[sflag:s17] =	ssyncset.done $0x0  }
0x1e2: {  	[sflag:s17] =	ssyncadd.s32 $0xFFFFC000  }
0x1e3: {  	_ =	swait.ge [sflag:s21], $0x4000  }
0x1e4: {  	[sflag:s21] =	ssyncset.done $0x0  }
0x1e5: {  	[sflag:s21] =	ssyncadd.s32 $0xFFFFC000  }
0x1e6: {  	[tilespmem:s22], [sflag:$0x2] =	stream.indirect.gather [hbm4b:s0+s20], $0x80, s30, s20, $0xb8;
	[tilespmem:$0x1D000] =	vst v63  }
0x1e7: {  	_ = 	snop  }
0x1e8: {  	[spmem:s3] =	stream.indirect.scatter.add.f32 [tilespmem:s16], [sflag:$0x3], $0x80, s31, s20, $0xb8;
	[tilespmem:$0x1D000] =	vst v63  }
0x1e9: {  	_ =	swait.ge [sflag:s17], $0x4000  }
0x1ea: {  	[sflag:s17] =	ssyncset.done $0x0  }
0x1eb: {  	[sflag:s17] =	ssyncadd.s32 $0xFFFFC000  }
0x1ec: {  	_ =	swait.ge [sflag:s23], $0x4000  }
0x1ed: {  	[sflag:s23] =	ssyncset.done $0x0  }
0x1ee: {  	[sflag:s23] =	ssyncadd.s32 $0xFFFFC000  }
0x1ef: {  	[tilespmem:s16], [sflag:$0x1] =	stream.indirect.gather [hbm4b:s0+s20], $0x80, s1, s20, $0xb8;
	[tilespmem:$0x1D000] =	vst v63  }
0x1f0: {  	_ = 	snop  }
0x1f1: {  	[spmem:s3] =	stream.indirect.scatter.add.f32 [tilespmem:s22], [sflag:$0x3], $0x80, s2, s20, $0xb8;
	[tilespmem:$0x1D000] =	vst v63  }
0x1f2: {  	_ =	swait.ge [sflag:s17], $0x4000  }
0x1f3: {  	[sflag:s17] =	ssyncset.done $0x0  }
0x1f4: {  	[sflag:s17] =	ssyncadd.s32 $0xFFFFC000  }
0x1f5: {  	_ =	swait.ge [sflag:s21], $0x4000  }
0x1f6: {  	[sflag:s21] =	ssyncset.done $0x0  }
0x1f7: {  	[sflag:s21] =	ssyncadd.s32 $0xFFFFC000  }
0x1f8: {  	[tilespmem:s22], [sflag:$0x2] =	stream.indirect.gather [hbm4b:s0+s20], $0x80, s10, s20, $0xb8;
	[tilespmem:$0x1D000] =	vst v63  }
0x1f9: {  	_ = 	snop  }
0x1fa: {  	[spmem:s3] =	stream.indirect.scatter.add.f32 [tilespmem:s16], [sflag:$0x3], $0x80, s11, s20, $0xb8;
	[tilespmem:$0x1D000] =	vst v63  }
0x1fb: {  	_ =	swait.ge [sflag:s17], $0x4000  }
0x1fc: {  	[sflag:s17] =	ssyncset.done $0x0  }
0x1fd: {  	[sflag:s17] =	ssyncadd.s32 $0xFFFFC000  }
0x1fe: {  	_ =	swait.ge [sflag:s23], $0x4000  }
0x1ff: {  	[sflag:s23] =	ssyncset.done $0x0  }
0x200: {  	[sflag:s23] =	ssyncadd.s32 $0xFFFFC000  }
0x201: {  	[tilespmem:s16], [sflag:$0x1] =	stream.indirect.gather [hbm4b:s0+s20], $0x80, s12, s20, $0xb8;
	[tilespmem:$0x1D000] =	vst v63  }
0x202: {  	_ = 	snop  }
0x203: {  	[spmem:s3] =	stream.indirect.scatter.add.f32 [tilespmem:s22], [sflag:$0x3], $0x80, s13, s20, $0xb8;
	[tilespmem:$0x1D000] =	vst v63  }
0x204: {  	_ =	swait.ge [sflag:s17], $0x4000  }
0x205: {  	[sflag:s17] =	ssyncset.done $0x0  }
0x206: {  	[sflag:s17] =	ssyncadd.s32 $0xFFFFC000  }
0x207: {  	_ =	swait.ge [sflag:s21], $0x4000  }
0x208: {  	[sflag:s21] =	ssyncset.done $0x0  }
0x209: {  	[sflag:s21] =	ssyncadd.s32 $0xFFFFC000  }
0x20a: {  	[tilespmem:s22], [sflag:$0x2] =	stream.indirect.gather [hbm4b:s0+s20], $0x80, s14, s20, $0xb8;
	[tilespmem:$0x1D000] =	vst v63  }
0x20b: {  	_ = 	snop  }
0x20c: {  	[spmem:s3] =	stream.indirect.scatter.add.f32 [tilespmem:s16], [sflag:$0x3], $0x80, s15, s20, $0xb8;
	[tilespmem:$0x1D000] =	vst v63  }
0x20d: {  	_ =	swait.ge [sflag:s17], $0x4000  }
0x20e: {  	[sflag:s17] =	ssyncset.done $0x0  }
0x20f: {  	[sflag:s17] =	ssyncadd.s32 $0xFFFFC000  }
0x210: {  	_ =	swait.ge [sflag:s23], $0x4000  }
0x211: {  	[sflag:s23] =	ssyncset.done $0x0  }
0x212: {  	[sflag:s23] =	ssyncadd.s32 $0xFFFFC000  }
0x213: {  	[spmem:s3] =	stream.indirect.scatter.add.f32 [tilespmem:s22], [sflag:$0x3], $0x80, s5, s20, $0xb8;
	[tilespmem:$0x1D000] =	vst v63  }
0x214: {  	_ =	swait.ge [sflag:s17], $0x4000  }
0x215: {  	[sflag:s17] =	ssyncset.done $0x0  }
0x216: {  	[sflag:s17] =	ssyncadd.s32 $0xFFFFC000  }
0x217: {  	[bflag:$0x0] =	sbarrier.arrive $0xFFFF  }
0x218: {  	s7 =	rddreg [dreg:$0x14]  }
0x219: {  	[tilespmem:s16], [sflag:$0x3] =	stream.linear.gather [spmem:s7], $0x4000, $0x38;
	[tilespmem:$0x1D000] =	vst v63  }
0x21a: {  	_ =	swait.ge [sflag:s17], $0x4000  }
0x21b: {  	[sflag:s17] =	ssyncset.done $0x0  }
0x21c: {  	s8 =	rddreg [dreg:$0x19];
	[sflag:s17] =	ssyncadd.s32 $0xFFFFC000  }
0x21d: {  	[hbm4b:s8+s4] =	stream.linear.scatter [tilespmem:s16], [sflag:$0x3], $0x4000, $0x38;
	[tilespmem:$0x1D000] =	vst v63  }
0x21e: {  	_ =	swait.ge [sflag:s17], $0x4000  }
0x21f: {  	[sflag:s17] =	ssyncset.done $0x0  }
0x220: {  	s9 =	rddreg [dreg:$0x15];
	[sflag:s17] =	ssyncadd.s32 $0xFFFFC000  }
0x221: {  	[tilespmem:s16], [sflag:$0x3] =	stream.linear.gather [spmem:s9], $0x4000, $0x38;
	[tilespmem:$0x1D000] =	vst v63  }
0x222: {  	_ =	swait.ge [sflag:s17], $0x4000  }
0x223: {  	[sflag:s17] =	ssyncset.done $0x0  }
0x224: {  	s7 =	rddreg [dreg:$0x1a];
	[sflag:s17] =	ssyncadd.s32 $0xFFFFC000  }
0x225: {  	[hbm4b:s7+s4] =	stream.linear.scatter [tilespmem:s16], [sflag:$0x3], $0x4000, $0x38;
	[tilespmem:$0x1D000] =	vst v63  }
0x226: {  	_ =	swait.ge [sflag:s17], $0x4000  }
0x227: {  	[sflag:s17] =	ssyncset.done $0x0  }
0x228: {  	s8 =	rddreg [dreg:$0x16];
	[sflag:s17] =	ssyncadd.s32 $0xFFFFC000  }
0x229: {  	[tilespmem:s16], [sflag:$0x3] =	stream.linear.gather [spmem:s8], $0x4000, $0x38;
	[tilespmem:$0x1D000] =	vst v63  }
0x22a: {  	_ =	swait.ge [sflag:s17], $0x4000  }
0x22b: {  	[sflag:s17] =	ssyncset.done $0x0  }
0x22c: {  	s9 =	rddreg [dreg:$0x1b];
	[sflag:s17] =	ssyncadd.s32 $0xFFFFC000  }
0x22d: {  	[hbm4b:s9+s4] =	stream.linear.scatter [tilespmem:s16], [sflag:$0x3], $0x4000, $0x38;
	[tilespmem:$0x1D000] =	vst v63  }
0x22e: {  	_ =	swait.ge [sflag:s17], $0x4000  }
0x22f: {  	[sflag:s17] =	ssyncset.done $0x0  }
0x230: {  	s7 =	rddreg [dreg:$0x17];
	[sflag:s17] =	ssyncadd.s32 $0xFFFFC000  }
0x231: {  	[tilespmem:s16], [sflag:$0x3] =	stream.linear.gather [spmem:s7], $0x4000, $0x38;
	[tilespmem:$0x1D000] =	vst v63  }
0x232: {  	_ =	swait.ge [sflag:s17], $0x4000  }
0x233: {  	[sflag:s17] =	ssyncset.done $0x0  }
0x234: {  	s8 =	rddreg [dreg:$0x1c];
	[sflag:s17] =	ssyncadd.s32 $0xFFFFC000  }
0x235: {  	[hbm4b:s8+s4] =	stream.linear.scatter [tilespmem:s16], [sflag:$0x3], $0x4000, $0x38;
	[tilespmem:$0x1D000] =	vst v63  }
0x236: {  	_ =	swait.ge [sflag:s17], $0x4000  }
0x237: {  	[sflag:s17] =	ssyncset.done $0x0  }
0x238: {  	s9 =	rddreg [dreg:$0x18];
	[sflag:s17] =	ssyncadd.s32 $0xFFFFC000  }
0x239: {  	[tilespmem:s16], [sflag:$0x3] =	stream.linear.gather [spmem:s9], $0x4000, $0x38;
	[tilespmem:$0x1D000] =	vst v63  }
0x23a: {  	_ =	swait.ge [sflag:s17], $0x4000  }
0x23b: {  	[sflag:s17] =	ssyncset.done $0x0  }
0x23c: {  	s7 =	rddreg [dreg:$0x1d];
	[sflag:s17] =	ssyncadd.s32 $0xFFFFC000  }
0x23d: {  	[hbm4b:s7+s4] =	stream.linear.scatter [tilespmem:s16], [sflag:$0x3], $0x4000, $0x38;
	[tilespmem:$0x1D000] =	vst v63  }
0x23e: {  	_ =	swait.ge [sflag:s17], $0x4000  }
0x23f: {  	s8 =	rddreg [dreg:$0x1f]  }
0x240: {  	s9 =	rddreg [dreg:$0x1e];
	s7 =	sadd.s32 $0x1, s8  }
0x241: {  	p0 =	sne.s32 s7, s9  }
.Ltmp2:
0x242: {  	_ = 	snop;
	(pc) =	sbr.rel @p0 .LBB2_1-.Ltmp2, $3  }
0x243: {  	_ =	sdelay $0x1  }
0x244: {  	[sflag:s17] =	ssyncset.done $0x0  }
0x245: {  	[sflag:s17] =	ssyncadd.s32 $0xFFFFC000  }
0x246: {  	_ =	sfence.sel $0x180000  }
0x247: {  	[bflag:$0x0] =	sbarrier.arrive $0xFFFF  }
0x248: {  	_ =	strace $0x9000004A  }
0x249: {  	s0 =	stileid.u32;
	[bflag:$0x2] =	sbarrier.arrive $0xFFFF  }
0x24a: {  	p0 =	sne.s32 s0, $0x0;
	s0 =	rddreg [dreg:$0x3]  }
0x24b: {  	s0 =	sadd.s32 @!p0 $0x100000, s0  }
0x24c: {  	[sflag:s0] =	ssyncadd.tile.s32 @!p0 $0x1;
	_ =	shalt  }
.Lfunc_end2:
_tile_overlayer_lowered:
.L_overlay_start_2:
0x24d: {  	(tag) =	ssettag $0x2  }
0x24e: {  	s0 =	rddreg [dreg:$0x0];
	s2 =	stileid.u32  }
0x24f: {  	s1 =	rddreg [dreg:$0x1];
	p0 =	sne.s32 s2, $0x0  }
0x250: {  	s3 =	rddreg [dreg:$0x2];
	[bflag:$0x3] =	sbarrier.arrive $0xFFFF;
	s2 =	simm.s32 @!p0 $0x1C03  }
0x251: {  	[timem:s3], [sflag:s2] =	dma.local @!p0 [hbm:s0], s1  }
0x252: {  	s0 =	simm.s32 @!p0 $0x3  }
0x253: {  	_ =	swait.ge @!p0 [sflag:s0], s1  }
0x254: {  	s1 =	ssub.s32 @!p0 $0x0, s1;
	[sflag:s0] =	ssyncset.done @!p0 $0x0  }
0x255: {  	[sflag:s0] =	ssyncadd.s32 @!p0 s1  }
0x256: {  	[bflag:$0x3] =	sbarrier.arrive $0xFFFF  }
0x257: {  	_ =	shalt  }

// kernel: kernel.8.cloned.1.call-start
scs
__scs_entry_jumppad:
0x0: {  	(pc) =	sbr.rel $0x88, $3  }
0x1: {  	(tag) =	ssettag $0x0;
	lr =	simm.s32 $0x1  }
0x2: {  	[smem:$0x3F98] =	sst lr;
	_ =	strace $0xD0000000  }
0x3: {  	_ = 	snop  }
0x4: {  	_ = 	snop  }
0x5: {  	_ = 	snop  }
0x6: {  	_ = 	snop  }
0x7: {  	_ = 	snop  }
__scs_overlays_trampoline_lowered:
0x8: {  	[smem:$0x3FA7] =	sst s0  }
0x9: {  	[smem:$0x3FA8] =	sst s1  }
0xa: {  	[smem:$0x3FA9] =	sst s2  }
0xb: {  	[smem:$0x3FAA] =	sst s3  }
0xc: {  	[smem:$0x3FAB] =	sst s4  }
0xd: {  	[smem:$0x3FAC] =	sst s5  }
0xe: {  	[smem:$0x3FAD] =	sst s6  }
0xf: {  	[smem:$0x3FAE] =	sst s7  }
0x10: {  	[smem:$0x3FAF] =	sst s8  }
0x11: {  	[smem:$0x3FB0] =	sst s9;
	s0 =	simm.s32 @!p0 $0x0  }
0x12: {  	s1 =	sld [smem:$0x3F96];
	s0 =	simm.s32 @p0 $0x1  }
0x13: {  	[smem:$0x3FB1] =	sst s0;
	s0 =	simm.s32 @!p1 $0x0  }
0x14: {  	s2 =	sld [smem:$0x3F95];
	s0 =	simm.s32 @p1 $0x1  }
0x15: {  	[smem:$0x3FB2] =	sst s0;
	s0 =	simm.s32 @!p2 $0x0  }
0x16: {  	s3 =	sld [smem:$0x3FDB];
	s0 =	simm.s32 @p2 $0x1  }
0x17: {  	s4 =	simm.s32 $0x1BF5;
	[smem:$0x3FB4] =	sst s0  }
0x18: {  	s0 =	sld [smem:$0x3F97];
	_ =	swait.ge [sflag:s4], $0x0  }
0x19: {  	s7 =	sld [smem:$0x3F98]  }
0x1a: {  	s8 =	sadd.s32 $0xFFFFE003, lr  }
0x1b: {  	s9 =	sadd.s32 $0xFFFFFEF7, lr;
	s5 =	simm.s32 $0xFFFFFFFF;
	p2 =	slt.u32 s8, $0xFFFFF086  }
0x1c: {  	p1 =	slt.u32 s9, $0xF7A;
	s5 =	simm.s32 @!p2 $0x0  }
0x1d: {  	s5 =	simm.s32 @p1 $0x1;
	p0 =	seq.s32 s7, s2  }
0x1e: {  	s7 =	smul.u32 @!p0 $0xF7A, s2;
	p2 =	seq.s32 @!p0 s5, $0x0  }
0x1f: {  	s9 =	smul.u32 $0xF7A, s1;
	s8 =	simm.s32 @!p0 $0x1BF5;
	p2 =	por !p2, p0  }
0x20: {  	[sflag:s8] =	ssyncset.s32 @!p0 $0xFFFFF086;
	s6 =	sadd.s32 @!p0 s3, s7;
	s7 =	simm.s32 @!p0 $0x108  }
0x21: {  	s3 =	sadd.s32 s3, s9;
	s6 =	sadd.s32 @!p0 $0x88, s6;
	s7 =	simm.s32 @p2 $0x1082  }
0x22: {  	[simem:s7], [sflag:s8] =	dma.local @!p0 [hbm:s6], $0xF7A  }
0x23: {  	s9 =	sor.u32 $0xD0000000, s2;
	s6 =	simm.s32 $0x108;
	_ =	swait.ge @!p0 [sflag:s8], $0x0  }
0x24: {  	s3 =	sadd.s32 $0x88, s3;
	s6 =	simm.s32 @!p1 $0x1082;
	[sflag:s4] =	ssyncset.s32 $0xFFFFF086  }
0x25: {  	[simem:s6], [sflag:s4] =	dma.local [hbm:s3], $0xF7A  }
0x26: {  	[smem:$0x3F98] =	sst s1;
	(tag) =	ssettag s2;
	_ =	strace s9  }
0x27: {  	s1 =	sld [smem:$0x3FA8]  }
0x28: {  	s2 =	sld [smem:$0x3FA9]  }
0x29: {  	s4 =	sld [smem:$0x3FAB]  }
0x2a: {  	p0 =	seq.s32 s5, $0x0;
	s5 =	sld [smem:$0x3FAC]  }
0x2b: {  	s6 =	sld [smem:$0x3FAD]  }
0x2c: {  	s7 =	sld [smem:$0x3FAE]  }
0x2d: {  	s3 =	simm.s32 $0x108;
	s8 =	sld [smem:$0x3FAF]  }
0x2e: {  	s3 =	simm.s32 @!p0 $0x1082;
	s9 =	sld [smem:$0x3FB0]  }
0x2f: {  	lr =	sadd.s32 s0, s3;
	s0 =	sld [smem:$0x3FA7]  }
0x30: {  	s3 =	sld [smem:$0x3FAA]  }
0x31: {  	[smem:$0x3FB3] =	sst s10  }
0x32: {  	s10 =	sld [smem:$0x3FB1];
	_ =	sdelay $0x3  }
0x33: {  	p0 =	seq.s32 s10, $0x1;
	s10 =	sld [smem:$0x3FB3];
	_ =	sdelay $0x3  }
0x34: {  	[smem:$0x3FB3] =	sst s10  }
0x35: {  	s10 =	sld [smem:$0x3FB2];
	_ =	sdelay $0x3  }
0x36: {  	p1 =	seq.s32 s10, $0x1;
	s10 =	sld [smem:$0x3FB3];
	_ =	sdelay $0x3  }
0x37: {  	[smem:$0x3FB3] =	sst s10  }
0x38: {  	s10 =	sld [smem:$0x3FB4]  }
0x39: {  	_ = 	snop;
	(pc) =	sbr.ind lr, $3  }
0x3a: {  	_ = 	snop  }
0x3b: {  	_ = 	snop  }
0x3c: {  	p2 =	seq.s32 s10, $0x1;
	s10 =	sld [smem:$0x3FB3]  }
0x3d: {  	_ =	shalt  }
0x3e: {  	_ =	shalt  }
0x3f: {  	_ =	shalt  }
0x40: {  	_ =	shalt  }
0x41: {  	_ =	shalt  }
0x42: {  	_ =	shalt  }
0x43: {  	_ =	shalt  }
0x44: {  	_ =	shalt  }
0x45: {  	_ =	shalt  }
0x46: {  	_ =	shalt  }
0x47: {  	_ =	shalt  }
0x48: {  	_ =	shalt  }
0x49: {  	_ =	shalt  }
0x4a: {  	_ =	shalt  }
0x4b: {  	_ =	shalt  }
0x4c: {  	_ =	shalt  }
0x4d: {  	_ =	shalt  }
0x4e: {  	_ =	shalt  }
0x4f: {  	_ =	shalt  }
0x50: {  	_ =	shalt  }
0x51: {  	_ =	shalt  }
0x52: {  	_ =	shalt  }
0x53: {  	_ =	shalt  }
0x54: {  	_ =	shalt  }
0x55: {  	_ =	shalt  }
0x56: {  	_ =	shalt  }
0x57: {  	_ =	shalt  }
0x58: {  	_ =	shalt  }
0x59: {  	_ =	shalt  }
0x5a: {  	_ =	shalt  }
0x5b: {  	_ =	shalt  }
0x5c: {  	_ =	shalt  }
0x5d: {  	_ =	shalt  }
0x5e: {  	_ =	shalt  }
0x5f: {  	_ =	shalt  }
0x60: {  	_ =	shalt  }
0x61: {  	_ =	shalt  }
0x62: {  	_ =	shalt  }
0x63: {  	_ =	shalt  }
0x64: {  	_ =	shalt  }
0x65: {  	_ =	shalt  }
0x66: {  	_ =	shalt  }
0x67: {  	_ =	shalt  }
0x68: {  	_ =	shalt  }
0x69: {  	_ =	shalt  }
0x6a: {  	_ =	shalt  }
0x6b: {  	_ =	shalt  }
0x6c: {  	_ =	shalt  }
0x6d: {  	_ =	shalt  }
0x6e: {  	_ =	shalt  }
0x6f: {  	_ =	shalt  }
0x70: {  	_ =	shalt  }
0x71: {  	_ =	shalt  }
0x72: {  	_ =	shalt  }
0x73: {  	_ =	shalt  }
0x74: {  	_ =	shalt  }
0x75: {  	_ =	shalt  }
0x76: {  	_ =	shalt  }
0x77: {  	_ =	shalt  }
0x78: {  	_ =	shalt  }
0x79: {  	_ =	shalt  }
0x7a: {  	_ =	shalt  }
0x7b: {  	_ =	shalt  }
0x7c: {  	_ =	shalt  }
0x7d: {  	_ =	shalt  }
0x7e: {  	_ =	shalt  }
0x7f: {  	_ =	shalt  }
0x80: {  	_ =	shalt  }
0x81: {  	_ =	shalt  }
0x82: {  	_ =	shalt  }
0x83: {  	_ =	shalt  }
0x84: {  	_ =	shalt  }
0x85: {  	_ =	shalt  }
0x86: {  	_ =	shalt  }
0x87: {  	_ =	shalt  }
.Lfunc_end0:
.L_simem_size_0:
called_computation_lowered:
.L_overlay_start_0:
0x88: {  	s2 =	sld [smem:$0x3FD9]  }
0x89: {  	s3 =	sld [smem:$0x3FFE];
	_ =	sdelay $0x1  }
0x8a: {  	s1 =	srdreg.scid  }
0x8b: {  	s0 =	sand.u32 $0x1, s1  }
0x8c: {  	s17 =	sshll.u32 s0, $0xA;
	s2 =	sadd.s32 s3, s2  }
0x8d: {  	s2 =	sadd.s32 s2, s17  }
0x8e: {  	[smem:$0x3FBF] =	sst s2  }
0x8f: {  	_ = 	snop  }
0x90: {  	s2 =	sld [smem:$0x3FD0];
	(tm) =	ssettm $0x1  }
0x91: {  	s18 =	sld [smem:$0x3FFB];
	_ =	sdelay $0x3  }
0x92: {  	_ =	strace s18  }
0x93: {  	s3 =	sld [smem:$0x3FFC];
	_ =	sdelay $0x3  }
0x94: {  	_ =	strace s3  }
0x95: {  	s3 =	sld [smem:$0x3FFD];
	_ =	sdelay $0x3  }
0x96: {  	_ =	strace s3  }
0x97: {  	_ =	strace $0x8FFFFFFF  }
0x98: {  	s19 =	sld [smem:$0x3FDB];
	_ =	sdelay $0x1  }
0x99: {  	s4 =	simm.s32 $_scs_section_size  }
0x9a: {  	s5 =	simm.s32 $_size__tile_overlayer_lowered;
	s6 =	simm.s32 $_tile_overlayer_lowered  }
0x9b: {  	s22 =	simm.s32 $0x1BFF;
	s21 =	sshll.u32 s6, $0x1;
	s3 =	sadd.s32 s4, s19  }
0x9c: {  	s7 =	simm.s32 $0x0;
	s20 =	sshll.u32 s5, $0x1;
	s5 =	sadd.s32 s21, s3  }
0x9d: {  	[timem:s7], [sflag:s22] =	dma.local [hbm:s5], s20  }
0x9e: {  	_ =	swait.ge [sflag:s22], s20  }
0x9f: {  	s4 =	ssub.s32 $0x0, s20;
	[sflag:s22] =	ssyncset.done $0x0  }
0xa0: {  	[sflag:s22] =	ssyncadd.s32 s4;
	_ =	sdelay $0x1  }
0xa1: {  	s23 =	simm.s32 $0x1B8B  }
0xa2: {  	_ =	swait.ge [sflag:s23], $0x1  }
0xa3: {  	[sflag:s23] =	ssyncset.done $0x0  }
0xa4: {  	s25 =	simm.s32 $0x1B8E;
	s24 =	sld [smem:$0x3FFE];
	[sflag:s23] =	ssyncadd.s32 $0xFFFFFFFF  }
0xa5: {  	s26 =	simm.s32 $execute0_lowered;
	[smem:$0x3FD2] =	sst s25  }
0xa6: {  	s5 =	sshll.u32 s26, $0x1;
	_ =	strace $0x80000046;
	[dreg:$0x1] =	wrdreg $0xFFFFFFFF  }
0xa7: {  	s28 =	simm.s32 $_size_execute0_lowered;
	s3 =	sadd.s32 s3, s5;
	[dreg:$0x0] =	wrdreg $0x0  }
0xa8: {  	s5 =	sshll.u32 s28, $0x1;
	[dreg:$0x2] =	wrdreg s3  }
0xa9: {  	[dreg:$0x3] =	wrdreg s5  }
0xaa: {  	[dreg:$0x4] =	wrdreg $0xC0  }
0xab: {  	_ =	task [dreg:s7], $0x5FFFF  }
0xac: {  	[dreg:$0x1] =	wrdreg $0xFFFFFFFF  }
0xad: {  	[dreg:$0x0] =	wrdreg $0x60  }
0xae: {  	[dreg:$0x2] =	wrdreg s24  }
0xaf: {  	[dreg:$0x3] =	wrdreg s2  }
0xb0: {  	[dreg:$0x4] =	wrdreg $0x0  }
0xb1: {  	[dreg:$0x5] =	wrdreg $0x9  }
0xb2: {  	_ =	task.clear_ibuf [dreg:s7], $0x6FFFF;
	_ =	strace $0x90000046  }
0xb3: {  	s29 =	simm.s32 $0x9;
	_ =	strace $0x80000048  }
0xb4: {  	_ =	swait.ge [sflag:s29], $0x1  }
0xb5: {  	[sflag:s29] =	ssyncadd.s32 $0xFFFFFFFF  }
0xb6: {  	_ =	strace $0x90000048  }
0xb7: {  	_ =	sfence  }
0xb8: {  	s30 =	sld [smem:$0x0];
	_ =	sdelay $0x2  }
0xb9: {  	s31 =	sshll.u32 s1, $0xD;
	s1 =	sshrl.u32 s1, $0x2  }
0xba: {  	s3 =	sand.u32 $0x4000, s31;
	s1 =	sadd.s32 s1, s30  }
0xbb: {  	s0 =	sor.u32 s3, s0;
	s1 =	sshll.u32 s1, $0x11  }
0xbc: {  	s0 =	sor.u32 s1, s0  }
0xbd: {  	s0 =	sadd.s32 $0x8F2B, s0  }
0xbe: {  	[sflag:s0] =	ssyncadd.remote.s32 $0x1  }
0xbf: {  	_ =	sfence.sel $0xFFFF  }
0xc0: {  	[dreg:$0x0] =	wrdreg $0xFFFFFFFF;
	(pc) =	sbr.abs _section_cstart, $3  }
0xc1: {  	[dreg:$0x1] =	wrdreg $0xFFFFFFFF  }
0xc2: {  	_ =	task.clear_ibuf [dreg:s7], $0x2FFFF;
	_ =	strace $0x9FFFFFFF  }
0xc3: {  	(tm) =	ssettm $0x7FFFFFFF  }
tec
execute0_lowered:
.L_overlay_start_1:
0x0: {  	(tag) =	ssettag $0x1  }
0x1: {  	s5 =	rddreg [dreg:$0x0]  }
0x2: {  	s6 =	rddreg [dreg:$0x1]  }
0x3: {  	s0 =	srdreg.scid;
	s2 =	rddreg [dreg:$0x2]  }
0x4: {  	s3 =	simm.s32 $0x0;
	s10 =	simm.s32 $0x280;
	s11 =	simm.s32 $0x80  }
0x5: {  	s12 =	simm.s32 $0x2A80;
	s4 =	sand.u32 $0x1, s0;
	s0 =	stileid.u32  }
0x6: {  	s13 =	simm.s32 $0x0;
	s1 =	sshll.u32 s4, $0x4;
	s8 =	smul.u32 $0x280, s0  }
0x7: {  	s9 =	smul.u32 $0x2800, s4;
	s4 =	ssub.s32 $0x2, s4;
	s1 =	sor.u32 s0, s1  }
0x8: {  	[smem:$0x7FF] =	sst s3;
	s30 =	sshrl.u32 s4, $0x1;
	s7 =	smul.u32 $0x500, s1  }
0x9: {  	s1 =	rddreg [dreg:$0x3];
	_ =	strace $0x80000047;
	s9 =	sadd.s32 s8, s9  }
0xa: {  	s31 =	sshrl.u32 s9, $0x3;
	s9 =	simm.s32 $0x1;
	s5 =	sadd.s32 s7, s5  }
0xb: {  	s7 =	ssub.s32 s4, s30;
	s4 =	sadd.s32 s8, s2;
	s6 =	sadd.s32 s6, s31  }
0xc: {  	v0 =	vimm.f32 $0.0e+00;
	v1 =	vimm.f32 $1.000000000e+00;
	s8 =	simm.s32 $0x2B00;
	s5 =	sadd.s32 $0x1E00, s5;
	s7 =	smax.u32 s7, $0x1  }
.LBB2_1:
0xd: {  	[tilespmem:$0x2B00] =	vst v0  }
0xe: {  	[tilespmem:$0x2B10] =	vst v0  }
0xf: {  	[tilespmem:$0x2B20] =	vst v0  }
0x10: {  	[tilespmem:$0x2B30] =	vst v0  }
0x11: {  	[tilespmem:$0x2B40] =	vst v0  }
0x12: {  	[tilespmem:$0x2B50] =	vst v0  }
0x13: {  	[tilespmem:$0x2B60] =	vst v0  }
0x14: {  	[tilespmem:$0x2B70] =	vst v0  }
0x15: {  	[tilespmem:$0x2B80] =	vst v0  }
0x16: {  	[tilespmem:$0x2B90] =	vst v0  }
0x17: {  	[tilespmem:$0x2BA0] =	vst v0  }
0x18: {  	[tilespmem:$0x2BB0] =	vst v0  }
0x19: {  	[tilespmem:$0x2BC0] =	vst v0  }
0x1a: {  	[tilespmem:$0x2BD0] =	vst v0  }
0x1b: {  	[tilespmem:$0x2BE0] =	vst v0  }
0x1c: {  	[tilespmem:$0x2BF0] =	vst v0  }
0x1d: {  	[tilespmem:$0x2C00] =	vst v0  }
0x1e: {  	[tilespmem:$0x2C10] =	vst v0  }
0x1f: {  	[tilespmem:$0x2C20] =	vst v0  }
0x20: {  	[tilespmem:$0x2C30] =	vst v0  }
0x21: {  	[tilespmem:$0x2C40] =	vst v0  }
0x22: {  	[tilespmem:$0x2C50] =	vst v0  }
0x23: {  	[tilespmem:$0x2C60] =	vst v0  }
0x24: {  	[tilespmem:$0x2C70] =	vst v0  }
0x25: {  	[tilespmem:$0x2C80] =	vst v0  }
0x26: {  	[tilespmem:$0x2C90] =	vst v0  }
0x27: {  	[tilespmem:$0x2CA0] =	vst v0  }
0x28: {  	[tilespmem:$0x2CB0] =	vst v0  }
0x29: {  	[tilespmem:$0x2CC0] =	vst v0  }
0x2a: {  	[tilespmem:$0x2CD0] =	vst v0  }
0x2b: {  	[tilespmem:$0x2CE0] =	vst v0  }
0x2c: {  	[tilespmem:$0x2CF0] =	vst v0  }
0x2d: {  	[tilespmem:$0x2D00] =	vst v0  }
0x2e: {  	[tilespmem:$0x2D10] =	vst v0  }
0x2f: {  	[tilespmem:$0x2D20] =	vst v0  }
0x30: {  	[tilespmem:$0x2D30] =	vst v0  }
0x31: {  	[tilespmem:$0x2D40] =	vst v0  }
0x32: {  	[tilespmem:$0x2D50] =	vst v0  }
0x33: {  	[tilespmem:$0x2D60] =	vst v0  }
0x34: {  	[tilespmem:$0x2D70] =	vst v0  }
0x35: {  	[tilespmem:$0x2A80] =	vst v1  }
0x36: {  	[tilespmem:$0x2A90] =	vst v1  }
0x37: {  	[tilespmem:$0x2AA0] =	vst v1  }
0x38: {  	[tilespmem:$0x2AB0] =	vst v1  }
0x39: {  	[tilespmem:$0x2AC0] =	vst v1  }
0x3a: {  	[tilespmem:$0x2AD0] =	vst v1  }
0x3b: {  	[tilespmem:$0x2AE0] =	vst v1  }
0x3c: {  	[tilespmem:$0x2AF0] =	vst v1  }
0x3d: {  	[spmem:s4] =	stream.linear.scatter [tilespmem:s8], [sflag:$0x1], $0x280, $0x38;
	[tilespmem:$0x2D80] =	vst v63  }
0x3e: {  	_ =	swait.ge [sflag:s9], $0x280  }
0x3f: {  	[sflag:s9] =	ssyncset.done $0x0  }
0x40: {  	[sflag:s9] =	ssyncadd.s32 $0xFFFFFD80  }
0x41: {  	[tilespmem:s10], [sflag:$0x1] =	stream.linear.gather [hbm4b:s5+s3], $0x2800, $0x38;
	[tilespmem:$0x2D80] =	vst v63  }
0x42: {  	_ =	swait.ge [sflag:s9], $0x2800  }
0x43: {  	[sflag:s9] =	ssyncset.done $0x0  }
0x44: {  	[sflag:s9] =	ssyncadd.s32 $0xFFFFD800  }
0x45: {  	s14 =	simm.s32 $0x280;
	[bflag:$0x0] =	sbarrier.arrive $0xFFFF  }
0x46: {  	[spmem:s2] =	stream.indirect.scatter.add.f32 [tilespmem:s12], [sflag:$0x1], $0x1, s14, s11, $0xb8;
	[tilespmem:$0x2D80] =	vst v63  }
0x47: {  	s14 =	simm.s32 $0x200;
	_ =	swait.ge [sflag:s9], $0x80  }
.LBB2_2:
0x48: {  	s15 =	sshra.s32 s14, $0x2;
	[sflag:s9] =	ssyncset.done $0x0;
	p0 =	sne.s32 s14, $0x9E00  }
.Ltmp0:
0x49: {  	s15 =	sadd.s32 $0x280, s15;
	[sflag:s9] =	ssyncadd.s32 $0xFFFFFF80;
	(pc) =	sbr.rel @p0 .LBB2_2-.Ltmp0, $3  }
0x4a: {  	[spmem:s2] =	stream.indirect.scatter.add.f32 [tilespmem:s12], [sflag:$0x1], $0x1, s15, s11, $0xb8;
	[tilespmem:$0x2D80] =	vst v63  }
0x4b: {  	s14 =	sadd.s32 $0x200, s14;
	_ =	sdelay $0x1  }
0x4c: {  	_ =	swait.ge [sflag:s9], $0x80  }
0x4d: {  	[sflag:s9] =	ssyncset.done $0x0  }
0x4e: {  	[sflag:s9] =	ssyncadd.s32 $0xFFFFFF80  }
0x4f: {  	[bflag:$0x0] =	sbarrier.arrive $0xFFFF  }
0x50: {  	[tilespmem:s8], [sflag:$0x1] =	stream.linear.gather [spmem:s4], $0x280, $0x38;
	[tilespmem:$0x2D80] =	vst v63  }
0x51: {  	s13 =	sadd.s32 $0x1, s13;
	_ =	swait.ge [sflag:s9], $0x280  }
0x52: {  	p0 =	sne.s32 s13, s7;
	[sflag:s9] =	ssyncset.done $0x0  }
.Ltmp1:
0x53: {  	[sflag:s9] =	ssyncadd.s32 $0xFFFFFD80;
	(pc) =	sbr.rel @p0 .LBB2_1-.Ltmp1, $4  }
0x54: {  	[hbm4b:s6+s3] =	stream.linear.scatter [tilespmem:s8], [sflag:$0x1], $0x280, $0x38;
	[tilespmem:$0x2D80] =	vst v63  }
0x55: {  	_ =	swait.ge [sflag:s9], $0x280  }
0x56: {  	[sflag:s9] =	ssyncset.done $0x0  }
0x57: {  	[sflag:s9] =	ssyncadd.s32 $0xFFFFFD80  }
0x58: {  	_ =	sfence.sel $0x180000  }
0x59: {  	[bflag:$0x0] =	sbarrier.arrive $0xFFFF  }
0x5a: {  	p0 =	sne.s32 s0, $0x0;
	_ =	strace $0x90000047  }
0x5b: {  	s0 =	sadd.s32 @!p0 $0x100000, s1;
	[bflag:$0x2] =	sbarrier.arrive $0xFFFF  }
0x5c: {  	[sflag:s0] =	ssyncadd.tile.s32 @!p0 $0x1;
	_ =	shalt  }
.Lfunc_end2:
_tile_overlayer_lowered:
.L_overlay_start_2:
0x5d: {  	(tag) =	ssettag $0x2  }
0x5e: {  	s0 =	rddreg [dreg:$0x0];
	s2 =	stileid.u32  }
0x5f: {  	s1 =	rddreg [dreg:$0x1];
	p0 =	sne.s32 s2, $0x0  }
0x60: {  	s3 =	rddreg [dreg:$0x2];
	[bflag:$0x3] =	sbarrier.arrive $0xFFFF;
	s2 =	simm.s32 @!p0 $0x1C01  }
0x61: {  	[timem:s3], [sflag:s2] =	dma.local @!p0 [hbm:s0], s1  }
0x62: {  	s0 =	simm.s32 @!p0 $0x1  }
0x63: {  	_ =	swait.ge @!p0 [sflag:s0], s1  }
0x64: {  	s1 =	ssub.s32 @!p0 $0x0, s1;
	[sflag:s0] =	ssyncset.done @!p0 $0x0  }
0x65: {  	[sflag:s0] =	ssyncadd.s32 @!p0 s1  }
0x66: {  	[bflag:$0x3] =	sbarrier.arrive $0xFFFF  }
0x67: {  	_ =	shalt  }

</sc_bundles>
